<compile_context>
chip_gen: v7x
topology: tpu7x:2x2x1
jax: 0.10.2.dev20260603
libtpu: 0.0.44.dev20260713+nightly
codegen_flags: <defaults>
</compile_context>

<pallas_src>
import functools

import jax
import jax.numpy as jnp
from jax import lax
from jax.experimental import pallas as pl
from jax.experimental.pallas import tpu as pltpu
from jax.experimental.pallas import tpu_sc as plsc

_TEMPERATURE = 2.0 / 3.0
_MAGICAL_NUMBER = 0.8
_NUM_LAYERS = 32
_MASK_SIZE = 11008
_NUM_ZEROS = _MASK_SIZE - _MASK_SIZE // 2

_L = 16
_UNROLL = 8
_CHUNKS = _MASK_SIZE // _L
_OUTER = _CHUNKS // _UNROLL

_mesh = plsc.VectorSubcoreMesh(core_axis_name="c", subcore_axis_name="s")


@functools.partial(
    pl.kernel,
    out_type=jax.ShapeDtypeStruct((_NUM_LAYERS, _MASK_SIZE), jnp.float32),
    mesh=_mesh,
    scratch_types=[pltpu.VMEM((_MASK_SIZE,), jnp.float32)],
    compiler_params=pltpu.CompilerParams(needs_layout_passes=False),
)
def _mask_rows(s_hbm, out_hbm, s_v):
    row = lax.axis_index("s") * 2 + lax.axis_index("c")
    pltpu.sync_copy(s_hbm.at[row], s_v)

    def _bits(i, j):
        return plsc.bitcast(s_v[pl.ds((i * _UNROLL + j) * _L, _L)], jnp.int32)

    _NACC = 4

    def mm_body(i, carry):
        mns, mxs = list(carry[0]), list(carry[1])
        for j in range(_UNROLL):
            v = _bits(i, j)
            a = j % _NACC
            mns[a] = jnp.minimum(mns[a], v)
            mxs[a] = jnp.maximum(mxs[a], v)
        return tuple(mns), tuple(mxs)

    mn0 = tuple(jnp.full((_L,), 0x3F800000, jnp.int32) for _ in range(_NACC))
    mx0 = tuple(jnp.zeros((_L,), jnp.int32) for _ in range(_NACC))
    mns, mxs = lax.fori_loop(0, _OUTER, mm_body, (mn0, mx0))
    lo0 = jnp.min(functools.reduce(jnp.minimum, mns))
    hi0 = jnp.max(functools.reduce(jnp.maximum, mxs))

    def count_le(t):
        def body(i, accs):
            accs = list(accs)
            for j in range(_UNROLL):
                a = j % _NACC
                accs[a] = accs[a] + plsc.all_reduce_population_count(
                    _bits(i, j) <= t)
            return tuple(accs)
        acc0 = tuple(jnp.zeros((_L,), jnp.int32) for _ in range(_NACC))
        accs = lax.fori_loop(0, _OUTER, body, acc0)
        return jnp.max(functools.reduce(jnp.add, accs))

    def bs_cond(state):
        lo, hi, _, _, _ = state
        return lo < hi

    def bs_body(state):
        lo, hi, c_lo, c_hi, parity = state
        num_v = jnp.broadcast_to(_NUM_ZEROS - c_lo, (_L,)).astype(jnp.float32)
        den_v = jnp.broadcast_to(jnp.maximum(c_hi - c_lo, 1),
                                 (_L,)).astype(jnp.float32)
        d_v = jnp.broadcast_to(hi - lo, (_L,)).astype(jnp.float32)
        step = jnp.max((d_v * (num_v / den_v)).astype(jnp.int32))
        m_int = jnp.clip(lo + step, lo, hi - 1)
        mid = jnp.where(parity == 0, m_int, lo + (hi - lo) // 2)
        c = count_le(mid)
        ge = c >= _NUM_ZEROS
        return (jnp.where(ge, lo, mid + 1),
                jnp.where(ge, mid, hi),
                jnp.where(ge, c_lo, c),
                jnp.where(ge, c, c_hi),
                1 - parity)

    t, _, c_lt, _, _ = lax.while_loop(
        bs_cond, bs_body,
        (lo0, hi0, jnp.int32(0), jnp.int32(_MASK_SIZE), jnp.int32(0)))
    needed = _NUM_ZEROS - c_lt

    def fin_body(i, cnt):
        for j in range(_UNROLL):
            v = _bits(i, j)
            lt = v < t
            eq = v == t
            eqi = jnp.where(eq, 1, 0).astype(jnp.int32)
            tie_rank = cnt + jnp.cumsum(eqi)
            zero = lt | (eq & (tie_rank <= needed))
            s_v[pl.ds((i * _UNROLL + j) * _L, _L)] = plsc.bitcast(
                jnp.where(zero, 0, v), jnp.float32)
            cnt = cnt + plsc.all_reduce_population_count(eq)
        return cnt

    lax.fori_loop(0, _OUTER, fin_body, jnp.zeros((_L,), jnp.int32))
    pltpu.sync_copy(s_v, out_hbm.at[row])


def kernel(z_loga):
    s = jax.nn.sigmoid(z_loga / _TEMPERATURE * _MAGICAL_NUMBER)
    return _mask_rows(s)

# --- scband reference (transcript-rebuilt; emitter-appended) ---
"""Pipeline reference for scband-l0-module-11587821765166 (READ-ONLY COPY).

The authoritative reference and input builder live on the scoring server;
editing this copy changes nothing except your own understanding.
"""

import jax, jax.numpy as jnp
import numpy as np

TEMPERATURE = 2.0 / 3.0
MAGICAL_NUMBER = 0.8
NUM_LAYERS = 32
MASK_SIZE = 11008
TARGET_MASK_SIZE = 5504  # mask_size * (1 - target_sparsity)
NUM_ZEROS = MASK_SIZE - TARGET_MASK_SIZE


def setup_inputs(seed: int = 0) -> dict:
    key = jax.random.key(seed)
    # Mask.param_init_fn initializes z_loga ~ Normal(mean=5, std=0.01)
    z_loga = jax.random.normal(key, (NUM_LAYERS, MASK_SIZE), dtype=jnp.float32) * 0.01 + 5.0
    return {"z_loga": z_loga}


def _deterministic_z_row(row):
    # soft_mask = sigmoid(z_loga / temperature * magical_number)
    soft_mask = jax.nn.sigmoid(row / TEMPERATURE * MAGICAL_NUMBER)
    # torch.topk(soft_mask, k=num_zeros, largest=False) -> indices of smallest NUM_ZEROS
    _, idx = jax.lax.top_k(-soft_mask, NUM_ZEROS)
    # soft_mask[indices] = 0.0
    soft_mask = soft_mask.at[idx].set(0.0)
    return soft_mask


def reference(z_loga):
    # L0Module eval path: Mask.deterministic_z -> per-row _deterministic_z over
    # z_loga reshaped to [-1, last_dim], stacked and reshaped to mask_output_shape.
    z2 = z_loga.reshape(-1, z_loga.shape[-1])
    z = jax.vmap(_deterministic_z_row)(z2)
    return z.reshape(NUM_LAYERS, MASK_SIZE)

if __name__ == "__main__":
    import jax
    _d = setup_inputs()
    print(jax.jit(kernel)(*tuple(_d.values())))

</pallas_src>

<mosaic_0001>
#map = affine_map<(d0, d1) -> (0, 0)>
module attributes {stable_mosaic.version = 14 : i64} {
  func.func @_mask_rows(%arg0: i32, %arg1: i32, %arg2: memref<32x11008xf32, #tpu.memory_space<hbm>>, %arg3: memref<32x11008xf32, #tpu.memory_space<hbm>>, %arg4: memref<11008xf32, #tpu.memory_space<vmem>>) attributes {dimension_semantics = [#tpu.dimension_semantics<core_parallel>, #tpu.dimension_semantics<subcore_parallel>], iteration_bounds = array<i64: 2, 16>, scalar_prefetch = 0 : i64, scratch_operands = 1 : i64, tpu.core_type = #tpu.core_type<sc_vector_subcore>, window_params = [{transform_indices = #map}, {transform_indices = #map}]} {
    %mul3A = arith.constant 2 : i32
    %mul3A_0 = arith.muli %arg1, %mul3A : i32
    %add3A = arith.addi %mul3A_0, %arg0 : i32
    "tpu.region"() ({
      %run_scoped3A = tpu.sem_alloc : memref<!tpu.dma_semaphore, #tpu.memory_space<semaphore_mem>>
      %dma_start3A = arith.constant 0 : i32
      %dma_start3A_51 = tpu.memref_slice %arg2[%add3A, %dma_start3A] : memref<32x11008xf32, #tpu.memory_space<hbm>> -> memref<1x11008xf32, #tpu.memory_space<hbm>>
      %dma_start3A_52 = tpu.memref_squeeze %dma_start3A_51 : memref<1x11008xf32, #tpu.memory_space<hbm>> -> memref<11008xf32, #tpu.memory_space<hbm>>
      %dma_start3A_53 = arith.constant 0 : i32
      %dma_start3A_54 = tpu.memref_slice %arg2[%add3A, %dma_start3A_53] : memref<32x11008xf32, #tpu.memory_space<hbm>> -> memref<1x11008xf32, #tpu.memory_space<hbm>>
      %dma_start3A_55 = tpu.memref_squeeze %dma_start3A_54 : memref<1x11008xf32, #tpu.memory_space<hbm>> -> memref<11008xf32, #tpu.memory_space<hbm>>
      tpu.enqueue_dma source(%dma_start3A_55 : memref<11008xf32, #tpu.memory_space<hbm>>) target(%arg4 : memref<11008xf32, #tpu.memory_space<vmem>>) target_semaphore(%run_scoped3A : memref<!tpu.dma_semaphore, #tpu.memory_space<semaphore_mem>>)
      %dma_wait3A = arith.constant 0 : i32
      %dma_wait3A_56 = tpu.memref_slice %arg2[%add3A, %dma_wait3A] : memref<32x11008xf32, #tpu.memory_space<hbm>> -> memref<1x11008xf32, #tpu.memory_space<hbm>>
      %dma_wait3A_57 = tpu.memref_squeeze %dma_wait3A_56 : memref<1x11008xf32, #tpu.memory_space<hbm>> -> memref<11008xf32, #tpu.memory_space<hbm>>
      %dma_wait3A_58 = arith.constant 0 : i32
      %dma_wait3A_59 = tpu.memref_slice %arg2[%add3A, %dma_wait3A_58] : memref<32x11008xf32, #tpu.memory_space<hbm>> -> memref<1x11008xf32, #tpu.memory_space<hbm>>
      %dma_wait3A_60 = tpu.memref_squeeze %dma_wait3A_59 : memref<1x11008xf32, #tpu.memory_space<hbm>> -> memref<11008xf32, #tpu.memory_space<hbm>>
      tpu.wait_dma2 semaphore(%run_scoped3A : memref<!tpu.dma_semaphore, #tpu.memory_space<semaphore_mem>>) src(%dma_wait3A_60 : memref<11008xf32, #tpu.memory_space<hbm>>) dst(%arg4 : memref<11008xf32, #tpu.memory_space<vmem>>)
      tpu.yield
    }) : () -> ()
    %broadcast_in_dim3A = arith.constant 1065353216 : i32
    %broadcast_in_dim3A_1 = vector.broadcast %broadcast_in_dim3A : i32 to vector<16xi32>
    %broadcast_in_dim3A_2 = arith.constant 1065353216 : i32
    %broadcast_in_dim3A_3 = vector.broadcast %broadcast_in_dim3A_2 : i32 to vector<16xi32>
    %broadcast_in_dim3A_4 = arith.constant 1065353216 : i32
    %broadcast_in_dim3A_5 = vector.broadcast %broadcast_in_dim3A_4 : i32 to vector<16xi32>
    %broadcast_in_dim3A_6 = arith.constant 1065353216 : i32
    %broadcast_in_dim3A_7 = vector.broadcast %broadcast_in_dim3A_6 : i32 to vector<16xi32>
    %broadcast_in_dim3A_8 = arith.constant 0 : i32
    %broadcast_in_dim3A_9 = vector.broadcast %broadcast_in_dim3A_8 : i32 to vector<16xi32>
    %broadcast_in_dim3A_10 = arith.constant 0 : i32
    %broadcast_in_dim3A_11 = vector.broadcast %broadcast_in_dim3A_10 : i32 to vector<16xi32>
    %broadcast_in_dim3A_12 = arith.constant 0 : i32
    %broadcast_in_dim3A_13 = vector.broadcast %broadcast_in_dim3A_12 : i32 to vector<16xi32>
    %broadcast_in_dim3A_14 = arith.constant 0 : i32
    %broadcast_in_dim3A_15 = vector.broadcast %broadcast_in_dim3A_14 : i32 to vector<16xi32>
    %scan3A = arith.constant 0 : i32
    %scan3A_16 = arith.constant 86 : i32
    %scan3A_17 = arith.addi %scan3A, %scan3A_16 : i32
    %scan3A_18 = arith.constant 1 : i32
    %scan3A_19:8 = scf.for %scan3A_51 = %scan3A to %scan3A_17 step %scan3A_18 iter_args(%scan3A_52 = %broadcast_in_dim3A_1, %scan3A_53 = %broadcast_in_dim3A_3, %scan3A_54 = %broadcast_in_dim3A_5, %scan3A_55 = %broadcast_in_dim3A_7, %scan3A_56 = %broadcast_in_dim3A_9, %scan3A_57 = %broadcast_in_dim3A_11, %scan3A_58 = %broadcast_in_dim3A_13, %scan3A_59 = %broadcast_in_dim3A_15) -> (vector<16xi32>, vector<16xi32>, vector<16xi32>, vector<16xi32>, vector<16xi32>, vector<16xi32>, vector<16xi32>, vector<16xi32>)  : i32 {
      %mul3A_60 = arith.constant 8 : i32
      %mul3A_61 = arith.muli %scan3A_51, %mul3A_60 : i32
      %add3A_62 = arith.constant 0 : i32
      %add3A_63 = arith.addi %mul3A_61, %add3A_62 : i32
      %mul3A_64 = arith.constant 16 : i32
      %mul3A_65 = arith.muli %add3A_63, %mul3A_64 : i32
      %get3A = arith.index_cast %mul3A_65 : i32 to index
      %get3A_66 = tpu.vector_load %arg4[%get3A] {strides = array<i32>} : memref<11008xf32, #tpu.memory_space<vmem>>, vector<16xf32>,
      %bitcast3A = vector.bitcast %get3A_66 : vector<16xf32> to vector<16xi32>
      %min3A_67 = arith.minsi %scan3A_52, %bitcast3A : vector<16xi32>
      %max3A_68 = arith.maxsi %scan3A_56, %bitcast3A : vector<16xi32>
      %mul3A_69 = arith.constant 8 : i32
      %mul3A_70 = arith.muli %scan3A_51, %mul3A_69 : i32
      %add3A_71 = arith.constant 1 : i32
      %add3A_72 = arith.addi %mul3A_70, %add3A_71 : i32
      %mul3A_73 = arith.constant 16 : i32
      %mul3A_74 = arith.muli %add3A_72, %mul3A_73 : i32
      %get3A_75 = arith.index_cast %mul3A_74 : i32 to index
      %get3A_76 = tpu.vector_load %arg4[%get3A_75] {strides = array<i32>} : memref<11008xf32, #tpu.memory_space<vmem>>, vector<16xf32>,
      %bitcast3A_77 = vector.bitcast %get3A_76 : vector<16xf32> to vector<16xi32>
      %min3A_78 = arith.minsi %scan3A_53, %bitcast3A_77 : vector<16xi32>
      %max3A_79 = arith.maxsi %scan3A_57, %bitcast3A_77 : vector<16xi32>
      %mul3A_80 = arith.constant 8 : i32
      %mul3A_81 = arith.muli %scan3A_51, %mul3A_80 : i32
      %add3A_82 = arith.constant 2 : i32
      %add3A_83 = arith.addi %mul3A_81, %add3A_82 : i32
      %mul3A_84 = arith.constant 16 : i32
      %mul3A_85 = arith.muli %add3A_83, %mul3A_84 : i32
      %get3A_86 = arith.index_cast %mul3A_85 : i32 to index
      %get3A_87 = tpu.vector_load %arg4[%get3A_86] {strides = array<i32>} : memref<11008xf32, #tpu.memory_space<vmem>>, vector<16xf32>,
      %bitcast3A_88 = vector.bitcast %get3A_87 : vector<16xf32> to vector<16xi32>
      %min3A_89 = arith.minsi %scan3A_54, %bitcast3A_88 : vector<16xi32>
      %max3A_90 = arith.maxsi %scan3A_58, %bitcast3A_88 : vector<16xi32>
      %mul3A_91 = arith.constant 8 : i32
      %mul3A_92 = arith.muli %scan3A_51, %mul3A_91 : i32
      %add3A_93 = arith.constant 3 : i32
      %add3A_94 = arith.addi %mul3A_92, %add3A_93 : i32
      %mul3A_95 = arith.constant 16 : i32
      %mul3A_96 = arith.muli %add3A_94, %mul3A_95 : i32
      %get3A_97 = arith.index_cast %mul3A_96 : i32 to index
      %get3A_98 = tpu.vector_load %arg4[%get3A_97] {strides = array<i32>} : memref<11008xf32, #tpu.memory_space<vmem>>, vector<16xf32>,
      %bitcast3A_99 = vector.bitcast %get3A_98 : vector<16xf32> to vector<16xi32>
      %min3A_100 = arith.minsi %scan3A_55, %bitcast3A_99 : vector<16xi32>
      %max3A_101 = arith.maxsi %scan3A_59, %bitcast3A_99 : vector<16xi32>
      %mul3A_102 = arith.constant 8 : i32
      %mul3A_103 = arith.muli %scan3A_51, %mul3A_102 : i32
      %add3A_104 = arith.constant 4 : i32
      %add3A_105 = arith.addi %mul3A_103, %add3A_104 : i32
      %mul3A_106 = arith.constant 16 : i32
      %mul3A_107 = arith.muli %add3A_105, %mul3A_106 : i32
      %get3A_108 = arith.index_cast %mul3A_107 : i32 to index
      %get3A_109 = tpu.vector_load %arg4[%get3A_108] {strides = array<i32>} : memref<11008xf32, #tpu.memory_space<vmem>>, vector<16xf32>,
      %bitcast3A_110 = vector.bitcast %get3A_109 : vector<16xf32> to vector<16xi32>
      %min3A_111 = arith.minsi %min3A_67, %bitcast3A_110 : vector<16xi32>
      %max3A_112 = arith.maxsi %max3A_68, %bitcast3A_110 : vector<16xi32>
      %mul3A_113 = arith.constant 8 : i32
      %mul3A_114 = arith.muli %scan3A_51, %mul3A_113 : i32
      %add3A_115 = arith.constant 5 : i32
      %add3A_116 = arith.addi %mul3A_114, %add3A_115 : i32
      %mul3A_117 = arith.constant 16 : i32
      %mul3A_118 = arith.muli %add3A_116, %mul3A_117 : i32
      %get3A_119 = arith.index_cast %mul3A_118 : i32 to index
      %get3A_120 = tpu.vector_load %arg4[%get3A_119] {strides = array<i32>} : memref<11008xf32, #tpu.memory_space<vmem>>, vector<16xf32>,
      %bitcast3A_121 = vector.bitcast %get3A_120 : vector<16xf32> to vector<16xi32>
      %min3A_122 = arith.minsi %min3A_78, %bitcast3A_121 : vector<16xi32>
      %max3A_123 = arith.maxsi %max3A_79, %bitcast3A_121 : vector<16xi32>
      %mul3A_124 = arith.constant 8 : i32
      %mul3A_125 = arith.muli %scan3A_51, %mul3A_124 : i32
      %add3A_126 = arith.constant 6 : i32
      %add3A_127 = arith.addi %mul3A_125, %add3A_126 : i32
      %mul3A_128 = arith.constant 16 : i32
      %mul3A_129 = arith.muli %add3A_127, %mul3A_128 : i32
      %get3A_130 = arith.index_cast %mul3A_129 : i32 to index
      %get3A_131 = tpu.vector_load %arg4[%get3A_130] {strides = array<i32>} : memref<11008xf32, #tpu.memory_space<vmem>>, vector<16xf32>,
      %bitcast3A_132 = vector.bitcast %get3A_131 : vector<16xf32> to vector<16xi32>
      %min3A_133 = arith.minsi %min3A_89, %bitcast3A_132 : vector<16xi32>
      %max3A_134 = arith.maxsi %max3A_90, %bitcast3A_132 : vector<16xi32>
      %mul3A_135 = arith.constant 8 : i32
      %mul3A_136 = arith.muli %scan3A_51, %mul3A_135 : i32
      %add3A_137 = arith.constant 7 : i32
      %add3A_138 = arith.addi %mul3A_136, %add3A_137 : i32
      %mul3A_139 = arith.constant 16 : i32
      %mul3A_140 = arith.muli %add3A_138, %mul3A_139 : i32
      %get3A_141 = arith.index_cast %mul3A_140 : i32 to index
      %get3A_142 = tpu.vector_load %arg4[%get3A_141] {strides = array<i32>} : memref<11008xf32, #tpu.memory_space<vmem>>, vector<16xf32>,
      %bitcast3A_143 = vector.bitcast %get3A_142 : vector<16xf32> to vector<16xi32>
      %min3A_144 = arith.minsi %min3A_100, %bitcast3A_143 : vector<16xi32>
      %max3A_145 = arith.maxsi %max3A_101, %bitcast3A_143 : vector<16xi32>
      scf.yield %min3A_111, %min3A_122, %min3A_133, %min3A_144, %max3A_112, %max3A_123, %max3A_134, %max3A_145 : vector<16xi32>, vector<16xi32>, vector<16xi32>, vector<16xi32>, vector<16xi32>, vector<16xi32>, vector<16xi32>, vector<16xi32>
    }
    %scan3A_20 = arith.constant 86 : i32
    %min3A = arith.minsi %scan3A_19#0, %scan3A_19#1 : vector<16xi32>
    %min3A_21 = arith.minsi %min3A, %scan3A_19#2 : vector<16xi32>
    %min3A_22 = arith.minsi %min3A_21, %scan3A_19#3 : vector<16xi32>
    %reduce_min3A = arith.constant true
    %reduce_min3A_23 = vector.broadcast %reduce_min3A : i1 to vector<16xi1>
    %reduce_min3A_24 = arith.constant -2147483648 : i32
    %reduce_min3A_25 = vector.broadcast %reduce_min3A_24 : i32 to vector<16xi32>
    %reduce_min3A_26 = arith.xori %min3A_22, %reduce_min3A_25 : vector<16xi32>
    %reduce_min3A_27 = tpu.scan <min>, %reduce_min3A_26 masked %reduce_min3A_23 : vector<16xi32>, vector<16xi1> -> vector<16xi32>
    %reduce_min3A_28 = arith.xori %reduce_min3A_27, %reduce_min3A_25 : vector<16xi32>
    %reduce_min3A_29 = vector.extract %reduce_min3A_28[15] : i32 from vector<16xi32>
    %max3A = arith.maxsi %scan3A_19#4, %scan3A_19#5 : vector<16xi32>
    %max3A_30 = arith.maxsi %max3A, %scan3A_19#6 : vector<16xi32>
    %max3A_31 = arith.maxsi %max3A_30, %scan3A_19#7 : vector<16xi32>
    %reduce_max3A = arith.constant true
    %reduce_max3A_32 = vector.broadcast %reduce_max3A : i1 to vector<16xi1>
    %reduce_max3A_33 = arith.constant -2147483648 : i32
    %reduce_max3A_34 = vector.broadcast %reduce_max3A_33 : i32 to vector<16xi32>
    %reduce_max3A_35 = arith.xori %max3A_31, %reduce_max3A_34 : vector<16xi32>
    %reduce_max3A_36 = tpu.scan <max>, %reduce_max3A_35 masked %reduce_max3A_32 : vector<16xi32>, vector<16xi1> -> vector<16xi32>
    %reduce_max3A_37 = arith.xori %reduce_max3A_36, %reduce_max3A_34 : vector<16xi32>
    %reduce_max3A_38 = vector.extract %reduce_max3A_37[15] : i32 from vector<16xi32>
    %while3A = arith.constant 0 : i32
    %while3A_39 = arith.constant 11008 : i32
    %while3A_40 = arith.constant 0 : i32
    %while3A_41:5 = scf.while (%while3A_51 = %reduce_min3A_29, %while3A_52 = %reduce_max3A_38, %while3A_53 = %while3A, %while3A_54 = %while3A_39, %while3A_55 = %while3A_40) : (i32, i32, i32, i32, i32) -> (i32, i32, i32, i32, i32) {
      %lt3A = arith.cmpi slt, %while3A_51, %while3A_52 : i32
      scf.condition(%lt3A) %while3A_51, %while3A_52, %while3A_53, %while3A_54, %while3A_55 : i32, i32, i32, i32, i32
    } do {
    ^bb0(%while3A_51: i32, %while3A_52: i32, %while3A_53: i32, %while3A_54: i32, %while3A_55: i32):
      %sub3A_56 = arith.constant 5504 : i32
      %sub3A_57 = arith.subi %sub3A_56, %while3A_53 : i32
      %broadcast_in_dim3A_58 = vector.broadcast %sub3A_57 : i32 to vector<16xi32>
      %convert_element_type3A = arith.sitofp %broadcast_in_dim3A_58 : vector<16xi32> to vector<16xf32>
      %sub3A_59 = arith.subi %while3A_54, %while3A_53 : i32
      %max3A_60 = arith.constant 1 : i32
      %max3A_61 = arith.maxsi %sub3A_59, %max3A_60 : i32
      %broadcast_in_dim3A_62 = vector.broadcast %max3A_61 : i32 to vector<16xi32>
      %convert_element_type3A_63 = arith.sitofp %broadcast_in_dim3A_62 : vector<16xi32> to vector<16xf32>
      %sub3A_64 = arith.subi %while3A_52, %while3A_51 : i32
      %broadcast_in_dim3A_65 = vector.broadcast %sub3A_64 : i32 to vector<16xi32>
      %convert_element_type3A_66 = arith.sitofp %broadcast_in_dim3A_65 : vector<16xi32> to vector<16xf32>
      %div3A = arith.divf %convert_element_type3A, %convert_element_type3A_63 : vector<16xf32>
      %mul3A_67 = arith.mulf %convert_element_type3A_66, %div3A : vector<16xf32>
      %convert_element_type3A_68 = arith.fptosi %mul3A_67 : vector<16xf32> to vector<16xi32>
      %reduce_max3A_69 = arith.constant true
      %reduce_max3A_70 = vector.broadcast %reduce_max3A_69 : i1 to vector<16xi1>
      %reduce_max3A_71 = arith.constant -2147483648 : i32
      %reduce_max3A_72 = vector.broadcast %reduce_max3A_71 : i32 to vector<16xi32>
      %reduce_max3A_73 = arith.xori %convert_element_type3A_68, %reduce_max3A_72 : vector<16xi32>
      %reduce_max3A_74 = tpu.scan <max>, %reduce_max3A_73 masked %reduce_max3A_70 : vector<16xi32>, vector<16xi1> -> vector<16xi32>
      %reduce_max3A_75 = arith.xori %reduce_max3A_74, %reduce_max3A_72 : vector<16xi32>
      %reduce_max3A_76 = vector.extract %reduce_max3A_75[15] : i32 from vector<16xi32>
      %add3A_77 = arith.addi %while3A_51, %reduce_max3A_76 : i32
      %sub3A_78 = arith.constant 1 : i32
      %sub3A_79 = arith.subi %while3A_52, %sub3A_78 : i32
      %max3A_80 = arith.maxsi %while3A_51, %add3A_77 : i32
      %min3A_81 = arith.minsi %sub3A_79, %max3A_80 : i32
      %eq3A = arith.constant 0 : i32
      %eq3A_82 = arith.cmpi eq, %while3A_55, %eq3A : i32
      %sub3A_83 = arith.subi %while3A_52, %while3A_51 : i32
      %jit3A = arith.constant 2 : i32
      %div3A_84 = arith.divsi %sub3A_83, %jit3A : i32
      %sign3A = arith.constant 0 : i32
      %sign3A_85 = arith.cmpi sgt, %sub3A_83, %sign3A : i32
      %sign3A_86 = arith.extui %sign3A_85 : i1 to i32
      %sign3A_87 = arith.constant 0 : i32
      %sign3A_88 = arith.cmpi slt, %sub3A_83, %sign3A_87 : i32
      %sign3A_89 = arith.extui %sign3A_88 : i1 to i32
      %sign3A_90 = arith.subi %sign3A_86, %sign3A_89 : i32
      %sign3A_91 = arith.constant 0 : i32
      %sign3A_92 = arith.cmpi sgt, %jit3A, %sign3A_91 : i32
      %sign3A_93 = arith.extui %sign3A_92 : i1 to i32
      %sign3A_94 = arith.constant 0 : i32
      %sign3A_95 = arith.cmpi slt, %jit3A, %sign3A_94 : i32
      %sign3A_96 = arith.extui %sign3A_95 : i1 to i32
      %sign3A_97 = arith.subi %sign3A_93, %sign3A_96 : i32
      %ne3A = arith.cmpi ne, %sign3A_90, %sign3A_97 : i32
      %rem3A = arith.remsi %sub3A_83, %jit3A : i32
      %ne3A_98 = arith.constant 0 : i32
      %ne3A_99 = arith.cmpi ne, %rem3A, %ne3A_98 : i32
      %and3A = arith.andi %ne3A, %ne3A_99 : i1
      %sub3A_100 = arith.constant 1 : i32
      %sub3A_101 = arith.subi %div3A_84, %sub3A_100 : i32
      %select_n3A = arith.select %and3A, %sub3A_101, %div3A_84 : i32
      %add3A_102 = arith.addi %while3A_51, %select_n3A : i32
      %select_n3A_103 = arith.select %eq3A_82, %min3A_81, %add3A_102 : i32
      %broadcast_in_dim3A_104 = arith.constant 0 : i32
      %broadcast_in_dim3A_105 = vector.broadcast %broadcast_in_dim3A_104 : i32 to vector<16xi32>
      %broadcast_in_dim3A_106 = arith.constant 0 : i32
      %broadcast_in_dim3A_107 = vector.broadcast %broadcast_in_dim3A_106 : i32 to vector<16xi32>
      %broadcast_in_dim3A_108 = arith.constant 0 : i32
      %broadcast_in_dim3A_109 = vector.broadcast %broadcast_in_dim3A_108 : i32 to vector<16xi32>
      %broadcast_in_dim3A_110 = arith.constant 0 : i32
      %broadcast_in_dim3A_111 = vector.broadcast %broadcast_in_dim3A_110 : i32 to vector<16xi32>
      %scan3A_112 = arith.constant 0 : i32
      %scan3A_113 = arith.constant 86 : i32
      %scan3A_114 = arith.addi %scan3A_112, %scan3A_113 : i32
      %scan3A_115 = arith.constant 1 : i32
      %scan3A_116:4 = scf.for %scan3A_138 = %scan3A_112 to %scan3A_114 step %scan3A_115 iter_args(%scan3A_139 = %broadcast_in_dim3A_105, %scan3A_140 = %broadcast_in_dim3A_107, %scan3A_141 = %broadcast_in_dim3A_109, %scan3A_142 = %broadcast_in_dim3A_111) -> (vector<16xi32>, vector<16xi32>, vector<16xi32>, vector<16xi32>)  : i32 {
        %mul3A_143 = arith.constant 8 : i32
        %mul3A_144 = arith.muli %scan3A_138, %mul3A_143 : i32
        %add3A_145 = arith.constant 0 : i32
        %add3A_146 = arith.addi %mul3A_144, %add3A_145 : i32
        %mul3A_147 = arith.constant 16 : i32
        %mul3A_148 = arith.muli %add3A_146, %mul3A_147 : i32
        %get3A = arith.index_cast %mul3A_148 : i32 to index
        %get3A_149 = tpu.vector_load %arg4[%get3A] {strides = array<i32>} : memref<11008xf32, #tpu.memory_space<vmem>>, vector<16xf32>,
        %bitcast3A = vector.bitcast %get3A_149 : vector<16xf32> to vector<16xi32>
        %le3A = vector.broadcast %select_n3A_103 : i32 to vector<16xi32>
        %le3A_150 = arith.cmpi sle, %bitcast3A, %le3A : vector<16xi32>
        %all_reduce_population_count3A = tpu.all_reduce %le3A_150 {dim = 0 : i64, kind = #tpu.reduction_kind<sum>} : vector<16xi1> -> vector<16xi32>
        %add3A_151 = arith.addi %scan3A_139, %all_reduce_population_count3A : vector<16xi32>
        %mul3A_152 = arith.constant 8 : i32
        %mul3A_153 = arith.muli %scan3A_138, %mul3A_152 : i32
        %add3A_154 = arith.constant 1 : i32
        %add3A_155 = arith.addi %mul3A_153, %add3A_154 : i32
        %mul3A_156 = arith.constant 16 : i32
        %mul3A_157 = arith.muli %add3A_155, %mul3A_156 : i32
        %get3A_158 = arith.index_cast %mul3A_157 : i32 to index
        %get3A_159 = tpu.vector_load %arg4[%get3A_158] {strides = array<i32>} : memref<11008xf32, #tpu.memory_space<vmem>>, vector<16xf32>,
        %bitcast3A_160 = vector.bitcast %get3A_159 : vector<16xf32> to vector<16xi32>
        %le3A_161 = vector.broadcast %select_n3A_103 : i32 to vector<16xi32>
        %le3A_162 = arith.cmpi sle, %bitcast3A_160, %le3A_161 : vector<16xi32>
        %all_reduce_population_count3A_163 = tpu.all_reduce %le3A_162 {dim = 0 : i64, kind = #tpu.reduction_kind<sum>} : vector<16xi1> -> vector<16xi32>
        %add3A_164 = arith.addi %scan3A_140, %all_reduce_population_count3A_163 : vector<16xi32>
        %mul3A_165 = arith.constant 8 : i32
        %mul3A_166 = arith.muli %scan3A_138, %mul3A_165 : i32
        %add3A_167 = arith.constant 2 : i32
        %add3A_168 = arith.addi %mul3A_166, %add3A_167 : i32
        %mul3A_169 = arith.constant 16 : i32
        %mul3A_170 = arith.muli %add3A_168, %mul3A_169 : i32
        %get3A_171 = arith.index_cast %mul3A_170 : i32 to index
        %get3A_172 = tpu.vector_load %arg4[%get3A_171] {strides = array<i32>} : memref<11008xf32, #tpu.memory_space<vmem>>, vector<16xf32>,
        %bitcast3A_173 = vector.bitcast %get3A_172 : vector<16xf32> to vector<16xi32>
        %le3A_174 = vector.broadcast %select_n3A_103 : i32 to vector<16xi32>
        %le3A_175 = arith.cmpi sle, %bitcast3A_173, %le3A_174 : vector<16xi32>
        %all_reduce_population_count3A_176 = tpu.all_reduce %le3A_175 {dim = 0 : i64, kind = #tpu.reduction_kind<sum>} : vector<16xi1> -> vector<16xi32>
        %add3A_177 = arith.addi %scan3A_141, %all_reduce_population_count3A_176 : vector<16xi32>
        %mul3A_178 = arith.constant 8 : i32
        %mul3A_179 = arith.muli %scan3A_138, %mul3A_178 : i32
        %add3A_180 = arith.constant 3 : i32
        %add3A_181 = arith.addi %mul3A_179, %add3A_180 : i32
        %mul3A_182 = arith.constant 16 : i32
        %mul3A_183 = arith.muli %add3A_181, %mul3A_182 : i32
        %get3A_184 = arith.index_cast %mul3A_183 : i32 to index
        %get3A_185 = tpu.vector_load %arg4[%get3A_184] {strides = array<i32>} : memref<11008xf32, #tpu.memory_space<vmem>>, vector<16xf32>,
        %bitcast3A_186 = vector.bitcast %get3A_185 : vector<16xf32> to vector<16xi32>
        %le3A_187 = vector.broadcast %select_n3A_103 : i32 to vector<16xi32>
        %le3A_188 = arith.cmpi sle, %bitcast3A_186, %le3A_187 : vector<16xi32>
        %all_reduce_population_count3A_189 = tpu.all_reduce %le3A_188 {dim = 0 : i64, kind = #tpu.reduction_kind<sum>} : vector<16xi1> -> vector<16xi32>
        %add3A_190 = arith.addi %scan3A_142, %all_reduce_population_count3A_189 : vector<16xi32>
        %mul3A_191 = arith.constant 8 : i32
        %mul3A_192 = arith.muli %scan3A_138, %mul3A_191 : i32
        %add3A_193 = arith.constant 4 : i32
        %add3A_194 = arith.addi %mul3A_192, %add3A_193 : i32
        %mul3A_195 = arith.constant 16 : i32
        %mul3A_196 = arith.muli %add3A_194, %mul3A_195 : i32
        %get3A_197 = arith.index_cast %mul3A_196 : i32 to index
        %get3A_198 = tpu.vector_load %arg4[%get3A_197] {strides = array<i32>} : memref<11008xf32, #tpu.memory_space<vmem>>, vector<16xf32>,
        %bitcast3A_199 = vector.bitcast %get3A_198 : vector<16xf32> to vector<16xi32>
        %le3A_200 = vector.broadcast %select_n3A_103 : i32 to vector<16xi32>
        %le3A_201 = arith.cmpi sle, %bitcast3A_199, %le3A_200 : vector<16xi32>
        %all_reduce_population_count3A_202 = tpu.all_reduce %le3A_201 {dim = 0 : i64, kind = #tpu.reduction_kind<sum>} : vector<16xi1> -> vector<16xi32>
        %add3A_203 = arith.addi %add3A_151, %all_reduce_population_count3A_202 : vector<16xi32>
        %mul3A_204 = arith.constant 8 : i32
        %mul3A_205 = arith.muli %scan3A_138, %mul3A_204 : i32
        %add3A_206 = arith.constant 5 : i32
        %add3A_207 = arith.addi %mul3A_205, %add3A_206 : i32
        %mul3A_208 = arith.constant 16 : i32
        %mul3A_209 = arith.muli %add3A_207, %mul3A_208 : i32
        %get3A_210 = arith.index_cast %mul3A_209 : i32 to index
        %get3A_211 = tpu.vector_load %arg4[%get3A_210] {strides = array<i32>} : memref<11008xf32, #tpu.memory_space<vmem>>, vector<16xf32>,
        %bitcast3A_212 = vector.bitcast %get3A_211 : vector<16xf32> to vector<16xi32>
        %le3A_213 = vector.broadcast %select_n3A_103 : i32 to vector<16xi32>
        %le3A_214 = arith.cmpi sle, %bitcast3A_212, %le3A_213 : vector<16xi32>
        %all_reduce_population_count3A_215 = tpu.all_reduce %le3A_214 {dim = 0 : i64, kind = #tpu.reduction_kind<sum>} : vector<16xi1> -> vector<16xi32>
        %add3A_216 = arith.addi %add3A_164, %all_reduce_population_count3A_215 : vector<16xi32>
        %mul3A_217 = arith.constant 8 : i32
        %mul3A_218 = arith.muli %scan3A_138, %mul3A_217 : i32
        %add3A_219 = arith.constant 6 : i32
        %add3A_220 = arith.addi %mul3A_218, %add3A_219 : i32
        %mul3A_221 = arith.constant 16 : i32
        %mul3A_222 = arith.muli %add3A_220, %mul3A_221 : i32
        %get3A_223 = arith.index_cast %mul3A_222 : i32 to index
        %get3A_224 = tpu.vector_load %arg4[%get3A_223] {strides = array<i32>} : memref<11008xf32, #tpu.memory_space<vmem>>, vector<16xf32>,
        %bitcast3A_225 = vector.bitcast %get3A_224 : vector<16xf32> to vector<16xi32>
        %le3A_226 = vector.broadcast %select_n3A_103 : i32 to vector<16xi32>
        %le3A_227 = arith.cmpi sle, %bitcast3A_225, %le3A_226 : vector<16xi32>
        %all_reduce_population_count3A_228 = tpu.all_reduce %le3A_227 {dim = 0 : i64, kind = #tpu.reduction_kind<sum>} : vector<16xi1> -> vector<16xi32>
        %add3A_229 = arith.addi %add3A_177, %all_reduce_population_count3A_228 : vector<16xi32>
        %mul3A_230 = arith.constant 8 : i32
        %mul3A_231 = arith.muli %scan3A_138, %mul3A_230 : i32
        %add3A_232 = arith.constant 7 : i32
        %add3A_233 = arith.addi %mul3A_231, %add3A_232 : i32
        %mul3A_234 = arith.constant 16 : i32
        %mul3A_235 = arith.muli %add3A_233, %mul3A_234 : i32
        %get3A_236 = arith.index_cast %mul3A_235 : i32 to index
        %get3A_237 = tpu.vector_load %arg4[%get3A_236] {strides = array<i32>} : memref<11008xf32, #tpu.memory_space<vmem>>, vector<16xf32>,
        %bitcast3A_238 = vector.bitcast %get3A_237 : vector<16xf32> to vector<16xi32>
        %le3A_239 = vector.broadcast %select_n3A_103 : i32 to vector<16xi32>
        %le3A_240 = arith.cmpi sle, %bitcast3A_238, %le3A_239 : vector<16xi32>
        %all_reduce_population_count3A_241 = tpu.all_reduce %le3A_240 {dim = 0 : i64, kind = #tpu.reduction_kind<sum>} : vector<16xi1> -> vector<16xi32>
        %add3A_242 = arith.addi %add3A_190, %all_reduce_population_count3A_241 : vector<16xi32>
        scf.yield %add3A_203, %add3A_216, %add3A_229, %add3A_242 : vector<16xi32>, vector<16xi32>, vector<16xi32>, vector<16xi32>
      }
      %scan3A_117 = arith.constant 86 : i32
      %add3A_118 = arith.addi %scan3A_116#0, %scan3A_116#1 : vector<16xi32>
      %add3A_119 = arith.addi %add3A_118, %scan3A_116#2 : vector<16xi32>
      %add3A_120 = arith.addi %add3A_119, %scan3A_116#3 : vector<16xi32>
      %reduce_max3A_121 = arith.constant true
      %reduce_max3A_122 = vector.broadcast %reduce_max3A_121 : i1 to vector<16xi1>
      %reduce_max3A_123 = arith.constant -2147483648 : i32
      %reduce_max3A_124 = vector.broadcast %reduce_max3A_123 : i32 to vector<16xi32>
      %reduce_max3A_125 = arith.xori %add3A_120, %reduce_max3A_124 : vector<16xi32>
      %reduce_max3A_126 = tpu.scan <max>, %reduce_max3A_125 masked %reduce_max3A_122 : vector<16xi32>, vector<16xi1> -> vector<16xi32>
      %reduce_max3A_127 = arith.xori %reduce_max3A_126, %reduce_max3A_124 : vector<16xi32>
      %reduce_max3A_128 = vector.extract %reduce_max3A_127[15] : i32 from vector<16xi32>
      %ge3A = arith.constant 5504 : i32
      %ge3A_129 = arith.cmpi sge, %reduce_max3A_128, %ge3A : i32
      %add3A_130 = arith.constant 1 : i32
      %add3A_131 = arith.addi %select_n3A_103, %add3A_130 : i32
      %select_n3A_132 = arith.select %ge3A_129, %while3A_51, %add3A_131 : i32
      %select_n3A_133 = arith.select %ge3A_129, %select_n3A_103, %while3A_52 : i32
      %select_n3A_134 = arith.select %ge3A_129, %while3A_53, %reduce_max3A_128 : i32
      %select_n3A_135 = arith.select %ge3A_129, %reduce_max3A_128, %while3A_54 : i32
      %sub3A_136 = arith.constant 1 : i32
      %sub3A_137 = arith.subi %sub3A_136, %while3A_55 : i32
      scf.yield %select_n3A_132, %select_n3A_133, %select_n3A_134, %select_n3A_135, %sub3A_137 : i32, i32, i32, i32, i32
    }
    %sub3A = arith.constant 5504 : i32
    %sub3A_42 = arith.subi %sub3A, %while3A_41#2 : i32
    %broadcast_in_dim3A_43 = arith.constant 0 : i32
    %broadcast_in_dim3A_44 = vector.broadcast %broadcast_in_dim3A_43 : i32 to vector<16xi32>
    %scan3A_45 = arith.constant 0 : i32
    %scan3A_46 = arith.constant 86 : i32
    %scan3A_47 = arith.addi %scan3A_45, %scan3A_46 : i32
    %scan3A_48 = arith.constant 1 : i32
    %scan3A_49 = scf.for %scan3A_51 = %scan3A_45 to %scan3A_47 step %scan3A_48 iter_args(%scan3A_52 = %broadcast_in_dim3A_44) -> (vector<16xi32>)  : i32 {
      %mul3A_53 = arith.constant 8 : i32
      %mul3A_54 = arith.muli %scan3A_51, %mul3A_53 : i32
      %add3A_55 = arith.constant 0 : i32
      %add3A_56 = arith.addi %mul3A_54, %add3A_55 : i32
      %mul3A_57 = arith.constant 16 : i32
      %mul3A_58 = arith.muli %add3A_56, %mul3A_57 : i32
      %get3A = arith.index_cast %mul3A_58 : i32 to index
      %get3A_59 = tpu.vector_load %arg4[%get3A] {strides = array<i32>} : memref<11008xf32, #tpu.memory_space<vmem>>, vector<16xf32>,
      %bitcast3A = vector.bitcast %get3A_59 : vector<16xf32> to vector<16xi32>
      %lt3A = vector.broadcast %while3A_41#0 : i32 to vector<16xi32>
      %lt3A_60 = arith.cmpi slt, %bitcast3A, %lt3A : vector<16xi32>
      %eq3A = vector.broadcast %while3A_41#0 : i32 to vector<16xi32>
      %eq3A_61 = arith.cmpi eq, %bitcast3A, %eq3A : vector<16xi32>
      %jit3A = arith.constant 1 : i32
      %jit3A_62 = arith.constant 0 : i32
      %broadcast_in_dim3A_63 = vector.broadcast %jit3A : i32 to vector<16xi32>
      %broadcast_in_dim3A_64 = vector.broadcast %jit3A_62 : i32 to vector<16xi32>
      %select_n3A = arith.select %eq3A_61, %broadcast_in_dim3A_63, %broadcast_in_dim3A_64 : vector<16xi1>, vector<16xi32>
      %cumsum3A = arith.constant true
      %cumsum3A_65 = vector.broadcast %cumsum3A : i1 to vector<16xi1>
      %cumsum3A_66 = tpu.scan <sum>, %select_n3A masked %cumsum3A_65 : vector<16xi32>, vector<16xi1> -> vector<16xi32>
      %add3A_67 = arith.addi %scan3A_52, %cumsum3A_66 : vector<16xi32>
      %le3A = vector.broadcast %sub3A_42 : i32 to vector<16xi32>
      %le3A_68 = arith.cmpi sle, %add3A_67, %le3A : vector<16xi32>
      %and3A = arith.andi %eq3A_61, %le3A_68 : vector<16xi1>
      %or3A = arith.ori %lt3A_60, %and3A : vector<16xi1>
      %jit3A_69 = arith.constant 0 : i32
      %broadcast_in_dim3A_70 = vector.broadcast %jit3A_69 : i32 to vector<16xi32>
      %select_n3A_71 = arith.select %or3A, %broadcast_in_dim3A_70, %bitcast3A : vector<16xi1>, vector<16xi32>
      %bitcast3A_72 = vector.bitcast %select_n3A_71 : vector<16xi32> to vector<16xf32>
      %mul3A_73 = arith.constant 8 : i32
      %mul3A_74 = arith.muli %scan3A_51, %mul3A_73 : i32
      %add3A_75 = arith.constant 0 : i32
      %add3A_76 = arith.addi %mul3A_74, %add3A_75 : i32
      %mul3A_77 = arith.constant 16 : i32
      %mul3A_78 = arith.muli %add3A_76, %mul3A_77 : i32
      %swap3A = arith.index_cast %mul3A_78 : i32 to index
      %swap3A_79 = tpu.vector_load %arg4[%swap3A] {strides = array<i32>} : memref<11008xf32, #tpu.memory_space<vmem>>, vector<16xf32>,
      tpu.vector_store %arg4[%swap3A], %bitcast3A_72 {strides = array<i32>} : memref<11008xf32, #tpu.memory_space<vmem>>, vector<16xf32>,
      %all_reduce_population_count3A = tpu.all_reduce %eq3A_61 {dim = 0 : i64, kind = #tpu.reduction_kind<sum>} : vector<16xi1> -> vector<16xi32>
      %add3A_80 = arith.addi %scan3A_52, %all_reduce_population_count3A : vector<16xi32>
      %mul3A_81 = arith.constant 8 : i32
      %mul3A_82 = arith.muli %scan3A_51, %mul3A_81 : i32
      %add3A_83 = arith.constant 1 : i32
      %add3A_84 = arith.addi %mul3A_82, %add3A_83 : i32
      %mul3A_85 = arith.constant 16 : i32
      %mul3A_86 = arith.muli %add3A_84, %mul3A_85 : i32
      %get3A_87 = arith.index_cast %mul3A_86 : i32 to index
      %get3A_88 = tpu.vector_load %arg4[%get3A_87] {strides = array<i32>} : memref<11008xf32, #tpu.memory_space<vmem>>, vector<16xf32>,
      %bitcast3A_89 = vector.bitcast %get3A_88 : vector<16xf32> to vector<16xi32>
      %lt3A_90 = vector.broadcast %while3A_41#0 : i32 to vector<16xi32>
      %lt3A_91 = arith.cmpi slt, %bitcast3A_89, %lt3A_90 : vector<16xi32>
      %eq3A_92 = vector.broadcast %while3A_41#0 : i32 to vector<16xi32>
      %eq3A_93 = arith.cmpi eq, %bitcast3A_89, %eq3A_92 : vector<16xi32>
      %jit3A_94 = arith.constant 1 : i32
      %jit3A_95 = arith.constant 0 : i32
      %broadcast_in_dim3A_96 = vector.broadcast %jit3A_94 : i32 to vector<16xi32>
      %broadcast_in_dim3A_97 = vector.broadcast %jit3A_95 : i32 to vector<16xi32>
      %select_n3A_98 = arith.select %eq3A_93, %broadcast_in_dim3A_96, %broadcast_in_dim3A_97 : vector<16xi1>, vector<16xi32>
      %cumsum3A_99 = arith.constant true
      %cumsum3A_100 = vector.broadcast %cumsum3A_99 : i1 to vector<16xi1>
      %cumsum3A_101 = tpu.scan <sum>, %select_n3A_98 masked %cumsum3A_100 : vector<16xi32>, vector<16xi1> -> vector<16xi32>
      %add3A_102 = arith.addi %add3A_80, %cumsum3A_101 : vector<16xi32>
      %le3A_103 = vector.broadcast %sub3A_42 : i32 to vector<16xi32>
      %le3A_104 = arith.cmpi sle, %add3A_102, %le3A_103 : vector<16xi32>
      %and3A_105 = arith.andi %eq3A_93, %le3A_104 : vector<16xi1>
      %or3A_106 = arith.ori %lt3A_91, %and3A_105 : vector<16xi1>
      %jit3A_107 = arith.constant 0 : i32
      %broadcast_in_dim3A_108 = vector.broadcast %jit3A_107 : i32 to vector<16xi32>
      %select_n3A_109 = arith.select %or3A_106, %broadcast_in_dim3A_108, %bitcast3A_89 : vector<16xi1>, vector<16xi32>
      %bitcast3A_110 = vector.bitcast %select_n3A_109 : vector<16xi32> to vector<16xf32>
      %mul3A_111 = arith.constant 8 : i32
      %mul3A_112 = arith.muli %scan3A_51, %mul3A_111 : i32
      %add3A_113 = arith.constant 1 : i32
      %add3A_114 = arith.addi %mul3A_112, %add3A_113 : i32
      %mul3A_115 = arith.constant 16 : i32
      %mul3A_116 = arith.muli %add3A_114, %mul3A_115 : i32
      %swap3A_117 = arith.index_cast %mul3A_116 : i32 to index
      %swap3A_118 = tpu.vector_load %arg4[%swap3A_117] {strides = array<i32>} : memref<11008xf32, #tpu.memory_space<vmem>>, vector<16xf32>,
      tpu.vector_store %arg4[%swap3A_117], %bitcast3A_110 {strides = array<i32>} : memref<11008xf32, #tpu.memory_space<vmem>>, vector<16xf32>,
      %all_reduce_population_count3A_119 = tpu.all_reduce %eq3A_93 {dim = 0 : i64, kind = #tpu.reduction_kind<sum>} : vector<16xi1> -> vector<16xi32>
      %add3A_120 = arith.addi %add3A_80, %all_reduce_population_count3A_119 : vector<16xi32>
      %mul3A_121 = arith.constant 8 : i32
      %mul3A_122 = arith.muli %scan3A_51, %mul3A_121 : i32
      %add3A_123 = arith.constant 2 : i32
      %add3A_124 = arith.addi %mul3A_122, %add3A_123 : i32
      %mul3A_125 = arith.constant 16 : i32
      %mul3A_126 = arith.muli %add3A_124, %mul3A_125 : i32
      %get3A_127 = arith.index_cast %mul3A_126 : i32 to index
      %get3A_128 = tpu.vector_load %arg4[%get3A_127] {strides = array<i32>} : memref<11008xf32, #tpu.memory_space<vmem>>, vector<16xf32>,
      %bitcast3A_129 = vector.bitcast %get3A_128 : vector<16xf32> to vector<16xi32>
      %lt3A_130 = vector.broadcast %while3A_41#0 : i32 to vector<16xi32>
      %lt3A_131 = arith.cmpi slt, %bitcast3A_129, %lt3A_130 : vector<16xi32>
      %eq3A_132 = vector.broadcast %while3A_41#0 : i32 to vector<16xi32>
      %eq3A_133 = arith.cmpi eq, %bitcast3A_129, %eq3A_132 : vector<16xi32>
      %jit3A_134 = arith.constant 1 : i32
      %jit3A_135 = arith.constant 0 : i32
      %broadcast_in_dim3A_136 = vector.broadcast %jit3A_134 : i32 to vector<16xi32>
      %broadcast_in_dim3A_137 = vector.broadcast %jit3A_135 : i32 to vector<16xi32>
      %select_n3A_138 = arith.select %eq3A_133, %broadcast_in_dim3A_136, %broadcast_in_dim3A_137 : vector<16xi1>, vector<16xi32>
      %cumsum3A_139 = arith.constant true
      %cumsum3A_140 = vector.broadcast %cumsum3A_139 : i1 to vector<16xi1>
      %cumsum3A_141 = tpu.scan <sum>, %select_n3A_138 masked %cumsum3A_140 : vector<16xi32>, vector<16xi1> -> vector<16xi32>
      %add3A_142 = arith.addi %add3A_120, %cumsum3A_141 : vector<16xi32>
      %le3A_143 = vector.broadcast %sub3A_42 : i32 to vector<16xi32>
      %le3A_144 = arith.cmpi sle, %add3A_142, %le3A_143 : vector<16xi32>
      %and3A_145 = arith.andi %eq3A_133, %le3A_144 : vector<16xi1>
      %or3A_146 = arith.ori %lt3A_131, %and3A_145 : vector<16xi1>
      %jit3A_147 = arith.constant 0 : i32
      %broadcast_in_dim3A_148 = vector.broadcast %jit3A_147 : i32 to vector<16xi32>
      %select_n3A_149 = arith.select %or3A_146, %broadcast_in_dim3A_148, %bitcast3A_129 : vector<16xi1>, vector<16xi32>
      %bitcast3A_150 = vector.bitcast %select_n3A_149 : vector<16xi32> to vector<16xf32>
      %mul3A_151 = arith.constant 8 : i32
      %mul3A_152 = arith.muli %scan3A_51, %mul3A_151 : i32
      %add3A_153 = arith.constant 2 : i32
      %add3A_154 = arith.addi %mul3A_152, %add3A_153 : i32
      %mul3A_155 = arith.constant 16 : i32
      %mul3A_156 = arith.muli %add3A_154, %mul3A_155 : i32
      %swap3A_157 = arith.index_cast %mul3A_156 : i32 to index
      %swap3A_158 = tpu.vector_load %arg4[%swap3A_157] {strides = array<i32>} : memref<11008xf32, #tpu.memory_space<vmem>>, vector<16xf32>,
      tpu.vector_store %arg4[%swap3A_157], %bitcast3A_150 {strides = array<i32>} : memref<11008xf32, #tpu.memory_space<vmem>>, vector<16xf32>,
      %all_reduce_population_count3A_159 = tpu.all_reduce %eq3A_133 {dim = 0 : i64, kind = #tpu.reduction_kind<sum>} : vector<16xi1> -> vector<16xi32>
      %add3A_160 = arith.addi %add3A_120, %all_reduce_population_count3A_159 : vector<16xi32>
      %mul3A_161 = arith.constant 8 : i32
      %mul3A_162 = arith.muli %scan3A_51, %mul3A_161 : i32
      %add3A_163 = arith.constant 3 : i32
      %add3A_164 = arith.addi %mul3A_162, %add3A_163 : i32
      %mul3A_165 = arith.constant 16 : i32
      %mul3A_166 = arith.muli %add3A_164, %mul3A_165 : i32
      %get3A_167 = arith.index_cast %mul3A_166 : i32 to index
      %get3A_168 = tpu.vector_load %arg4[%get3A_167] {strides = array<i32>} : memref<11008xf32, #tpu.memory_space<vmem>>, vector<16xf32>,
      %bitcast3A_169 = vector.bitcast %get3A_168 : vector<16xf32> to vector<16xi32>
      %lt3A_170 = vector.broadcast %while3A_41#0 : i32 to vector<16xi32>
      %lt3A_171 = arith.cmpi slt, %bitcast3A_169, %lt3A_170 : vector<16xi32>
      %eq3A_172 = vector.broadcast %while3A_41#0 : i32 to vector<16xi32>
      %eq3A_173 = arith.cmpi eq, %bitcast3A_169, %eq3A_172 : vector<16xi32>
      %jit3A_174 = arith.constant 1 : i32
      %jit3A_175 = arith.constant 0 : i32
      %broadcast_in_dim3A_176 = vector.broadcast %jit3A_174 : i32 to vector<16xi32>
      %broadcast_in_dim3A_177 = vector.broadcast %jit3A_175 : i32 to vector<16xi32>
      %select_n3A_178 = arith.select %eq3A_173, %broadcast_in_dim3A_176, %broadcast_in_dim3A_177 : vector<16xi1>, vector<16xi32>
      %cumsum3A_179 = arith.constant true
      %cumsum3A_180 = vector.broadcast %cumsum3A_179 : i1 to vector<16xi1>
      %cumsum3A_181 = tpu.scan <sum>, %select_n3A_178 masked %cumsum3A_180 : vector<16xi32>, vector<16xi1> -> vector<16xi32>
      %add3A_182 = arith.addi %add3A_160, %cumsum3A_181 : vector<16xi32>
      %le3A_183 = vector.broadcast %sub3A_42 : i32 to vector<16xi32>
      %le3A_184 = arith.cmpi sle, %add3A_182, %le3A_183 : vector<16xi32>
      %and3A_185 = arith.andi %eq3A_173, %le3A_184 : vector<16xi1>
      %or3A_186 = arith.ori %lt3A_171, %and3A_185 : vector<16xi1>
      %jit3A_187 = arith.constant 0 : i32
      %broadcast_in_dim3A_188 = vector.broadcast %jit3A_187 : i32 to vector<16xi32>
      %select_n3A_189 = arith.select %or3A_186, %broadcast_in_dim3A_188, %bitcast3A_169 : vector<16xi1>, vector<16xi32>
      %bitcast3A_190 = vector.bitcast %select_n3A_189 : vector<16xi32> to vector<16xf32>
      %mul3A_191 = arith.constant 8 : i32
      %mul3A_192 = arith.muli %scan3A_51, %mul3A_191 : i32
      %add3A_193 = arith.constant 3 : i32
      %add3A_194 = arith.addi %mul3A_192, %add3A_193 : i32
      %mul3A_195 = arith.constant 16 : i32
      %mul3A_196 = arith.muli %add3A_194, %mul3A_195 : i32
      %swap3A_197 = arith.index_cast %mul3A_196 : i32 to index
      %swap3A_198 = tpu.vector_load %arg4[%swap3A_197] {strides = array<i32>} : memref<11008xf32, #tpu.memory_space<vmem>>, vector<16xf32>,
      tpu.vector_store %arg4[%swap3A_197], %bitcast3A_190 {strides = array<i32>} : memref<11008xf32, #tpu.memory_space<vmem>>, vector<16xf32>,
      %all_reduce_population_count3A_199 = tpu.all_reduce %eq3A_173 {dim = 0 : i64, kind = #tpu.reduction_kind<sum>} : vector<16xi1> -> vector<16xi32>
      %add3A_200 = arith.addi %add3A_160, %all_reduce_population_count3A_199 : vector<16xi32>
      %mul3A_201 = arith.constant 8 : i32
      %mul3A_202 = arith.muli %scan3A_51, %mul3A_201 : i32
      %add3A_203 = arith.constant 4 : i32
      %add3A_204 = arith.addi %mul3A_202, %add3A_203 : i32
      %mul3A_205 = arith.constant 16 : i32
      %mul3A_206 = arith.muli %add3A_204, %mul3A_205 : i32
      %get3A_207 = arith.index_cast %mul3A_206 : i32 to index
      %get3A_208 = tpu.vector_load %arg4[%get3A_207] {strides = array<i32>} : memref<11008xf32, #tpu.memory_space<vmem>>, vector<16xf32>,
      %bitcast3A_209 = vector.bitcast %get3A_208 : vector<16xf32> to vector<16xi32>
      %lt3A_210 = vector.broadcast %while3A_41#0 : i32 to vector<16xi32>
      %lt3A_211 = arith.cmpi slt, %bitcast3A_209, %lt3A_210 : vector<16xi32>
      %eq3A_212 = vector.broadcast %while3A_41#0 : i32 to vector<16xi32>
      %eq3A_213 = arith.cmpi eq, %bitcast3A_209, %eq3A_212 : vector<16xi32>
      %jit3A_214 = arith.constant 1 : i32
      %jit3A_215 = arith.constant 0 : i32
      %broadcast_in_dim3A_216 = vector.broadcast %jit3A_214 : i32 to vector<16xi32>
      %broadcast_in_dim3A_217 = vector.broadcast %jit3A_215 : i32 to vector<16xi32>
      %select_n3A_218 = arith.select %eq3A_213, %broadcast_in_dim3A_216, %broadcast_in_dim3A_217 : vector<16xi1>, vector<16xi32>
      %cumsum3A_219 = arith.constant true
      %cumsum3A_220 = vector.broadcast %cumsum3A_219 : i1 to vector<16xi1>
      %cumsum3A_221 = tpu.scan <sum>, %select_n3A_218 masked %cumsum3A_220 : vector<16xi32>, vector<16xi1> -> vector<16xi32>
      %add3A_222 = arith.addi %add3A_200, %cumsum3A_221 : vector<16xi32>
      %le3A_223 = vector.broadcast %sub3A_42 : i32 to vector<16xi32>
      %le3A_224 = arith.cmpi sle, %add3A_222, %le3A_223 : vector<16xi32>
      %and3A_225 = arith.andi %eq3A_213, %le3A_224 : vector<16xi1>
      %or3A_226 = arith.ori %lt3A_211, %and3A_225 : vector<16xi1>
      %jit3A_227 = arith.constant 0 : i32
      %broadcast_in_dim3A_228 = vector.broadcast %jit3A_227 : i32 to vector<16xi32>
      %select_n3A_229 = arith.select %or3A_226, %broadcast_in_dim3A_228, %bitcast3A_209 : vector<16xi1>, vector<16xi32>
      %bitcast3A_230 = vector.bitcast %select_n3A_229 : vector<16xi32> to vector<16xf32>
      %mul3A_231 = arith.constant 8 : i32
      %mul3A_232 = arith.muli %scan3A_51, %mul3A_231 : i32
      %add3A_233 = arith.constant 4 : i32
      %add3A_234 = arith.addi %mul3A_232, %add3A_233 : i32
      %mul3A_235 = arith.constant 16 : i32
      %mul3A_236 = arith.muli %add3A_234, %mul3A_235 : i32
      %swap3A_237 = arith.index_cast %mul3A_236 : i32 to index
      %swap3A_238 = tpu.vector_load %arg4[%swap3A_237] {strides = array<i32>} : memref<11008xf32, #tpu.memory_space<vmem>>, vector<16xf32>,
      tpu.vector_store %arg4[%swap3A_237], %bitcast3A_230 {strides = array<i32>} : memref<11008xf32, #tpu.memory_space<vmem>>, vector<16xf32>,
      %all_reduce_population_count3A_239 = tpu.all_reduce %eq3A_213 {dim = 0 : i64, kind = #tpu.reduction_kind<sum>} : vector<16xi1> -> vector<16xi32>
      %add3A_240 = arith.addi %add3A_200, %all_reduce_population_count3A_239 : vector<16xi32>
      %mul3A_241 = arith.constant 8 : i32
      %mul3A_242 = arith.muli %scan3A_51, %mul3A_241 : i32
      %add3A_243 = arith.constant 5 : i32
      %add3A_244 = arith.addi %mul3A_242, %add3A_243 : i32
      %mul3A_245 = arith.constant 16 : i32
      %mul3A_246 = arith.muli %add3A_244, %mul3A_245 : i32
      %get3A_247 = arith.index_cast %mul3A_246 : i32 to index
      %get3A_248 = tpu.vector_load %arg4[%get3A_247] {strides = array<i32>} : memref<11008xf32, #tpu.memory_space<vmem>>, vector<16xf32>,
      %bitcast3A_249 = vector.bitcast %get3A_248 : vector<16xf32> to vector<16xi32>
      %lt3A_250 = vector.broadcast %while3A_41#0 : i32 to vector<16xi32>
      %lt3A_251 = arith.cmpi slt, %bitcast3A_249, %lt3A_250 : vector<16xi32>
      %eq3A_252 = vector.broadcast %while3A_41#0 : i32 to vector<16xi32>
      %eq3A_253 = arith.cmpi eq, %bitcast3A_249, %eq3A_252 : vector<16xi32>
      %jit3A_254 = arith.constant 1 : i32
      %jit3A_255 = arith.constant 0 : i32
      %broadcast_in_dim3A_256 = vector.broadcast %jit3A_254 : i32 to vector<16xi32>
      %broadcast_in_dim3A_257 = vector.broadcast %jit3A_255 : i32 to vector<16xi32>
      %select_n3A_258 = arith.select %eq3A_253, %broadcast_in_dim3A_256, %broadcast_in_dim3A_257 : vector<16xi1>, vector<16xi32>
      %cumsum3A_259 = arith.constant true
      %cumsum3A_260 = vector.broadcast %cumsum3A_259 : i1 to vector<16xi1>
      %cumsum3A_261 = tpu.scan <sum>, %select_n3A_258 masked %cumsum3A_260 : vector<16xi32>, vector<16xi1> -> vector<16xi32>
      %add3A_262 = arith.addi %add3A_240, %cumsum3A_261 : vector<16xi32>
      %le3A_263 = vector.broadcast %sub3A_42 : i32 to vector<16xi32>
      %le3A_264 = arith.cmpi sle, %add3A_262, %le3A_263 : vector<16xi32>
      %and3A_265 = arith.andi %eq3A_253, %le3A_264 : vector<16xi1>
      %or3A_266 = arith.ori %lt3A_251, %and3A_265 : vector<16xi1>
      %jit3A_267 = arith.constant 0 : i32
      %broadcast_in_dim3A_268 = vector.broadcast %jit3A_267 : i32 to vector<16xi32>
      %select_n3A_269 = arith.select %or3A_266, %broadcast_in_dim3A_268, %bitcast3A_249 : vector<16xi1>, vector<16xi32>
      %bitcast3A_270 = vector.bitcast %select_n3A_269 : vector<16xi32> to vector<16xf32>
      %mul3A_271 = arith.constant 8 : i32
      %mul3A_272 = arith.muli %scan3A_51, %mul3A_271 : i32
      %add3A_273 = arith.constant 5 : i32
      %add3A_274 = arith.addi %mul3A_272, %add3A_273 : i32
      %mul3A_275 = arith.constant 16 : i32
      %mul3A_276 = arith.muli %add3A_274, %mul3A_275 : i32
      %swap3A_277 = arith.index_cast %mul3A_276 : i32 to index
      %swap3A_278 = tpu.vector_load %arg4[%swap3A_277] {strides = array<i32>} : memref<11008xf32, #tpu.memory_space<vmem>>, vector<16xf32>,
      tpu.vector_store %arg4[%swap3A_277], %bitcast3A_270 {strides = array<i32>} : memref<11008xf32, #tpu.memory_space<vmem>>, vector<16xf32>,
      %all_reduce_population_count3A_279 = tpu.all_reduce %eq3A_253 {dim = 0 : i64, kind = #tpu.reduction_kind<sum>} : vector<16xi1> -> vector<16xi32>
      %add3A_280 = arith.addi %add3A_240, %all_reduce_population_count3A_279 : vector<16xi32>
      %mul3A_281 = arith.constant 8 : i32
      %mul3A_282 = arith.muli %scan3A_51, %mul3A_281 : i32
      %add3A_283 = arith.constant 6 : i32
      %add3A_284 = arith.addi %mul3A_282, %add3A_283 : i32
      %mul3A_285 = arith.constant 16 : i32
      %mul3A_286 = arith.muli %add3A_284, %mul3A_285 : i32
      %get3A_287 = arith.index_cast %mul3A_286 : i32 to index
      %get3A_288 = tpu.vector_load %arg4[%get3A_287] {strides = array<i32>} : memref<11008xf32, #tpu.memory_space<vmem>>, vector<16xf32>,
      %bitcast3A_289 = vector.bitcast %get3A_288 : vector<16xf32> to vector<16xi32>
      %lt3A_290 = vector.broadcast %while3A_41#0 : i32 to vector<16xi32>
      %lt3A_291 = arith.cmpi slt, %bitcast3A_289, %lt3A_290 : vector<16xi32>
      %eq3A_292 = vector.broadcast %while3A_41#0 : i32 to vector<16xi32>
      %eq3A_293 = arith.cmpi eq, %bitcast3A_289, %eq3A_292 : vector<16xi32>
      %jit3A_294 = arith.constant 1 : i32
      %jit3A_295 = arith.constant 0 : i32
      %broadcast_in_dim3A_296 = vector.broadcast %jit3A_294 : i32 to vector<16xi32>
      %broadcast_in_dim3A_297 = vector.broadcast %jit3A_295 : i32 to vector<16xi32>
      %select_n3A_298 = arith.select %eq3A_293, %broadcast_in_dim3A_296, %broadcast_in_dim3A_297 : vector<16xi1>, vector<16xi32>
      %cumsum3A_299 = arith.constant true
      %cumsum3A_300 = vector.broadcast %cumsum3A_299 : i1 to vector<16xi1>
      %cumsum3A_301 = tpu.scan <sum>, %select_n3A_298 masked %cumsum3A_300 : vector<16xi32>, vector<16xi1> -> vector<16xi32>
      %add3A_302 = arith.addi %add3A_280, %cumsum3A_301 : vector<16xi32>
      %le3A_303 = vector.broadcast %sub3A_42 : i32 to vector<16xi32>
      %le3A_304 = arith.cmpi sle, %add3A_302, %le3A_303 : vector<16xi32>
      %and3A_305 = arith.andi %eq3A_293, %le3A_304 : vector<16xi1>
      %or3A_306 = arith.ori %lt3A_291, %and3A_305 : vector<16xi1>
      %jit3A_307 = arith.constant 0 : i32
      %broadcast_in_dim3A_308 = vector.broadcast %jit3A_307 : i32 to vector<16xi32>
      %select_n3A_309 = arith.select %or3A_306, %broadcast_in_dim3A_308, %bitcast3A_289 : vector<16xi1>, vector<16xi32>
      %bitcast3A_310 = vector.bitcast %select_n3A_309 : vector<16xi32> to vector<16xf32>
      %mul3A_311 = arith.constant 8 : i32
      %mul3A_312 = arith.muli %scan3A_51, %mul3A_311 : i32
      %add3A_313 = arith.constant 6 : i32
      %add3A_314 = arith.addi %mul3A_312, %add3A_313 : i32
      %mul3A_315 = arith.constant 16 : i32
      %mul3A_316 = arith.muli %add3A_314, %mul3A_315 : i32
      %swap3A_317 = arith.index_cast %mul3A_316 : i32 to index
      %swap3A_318 = tpu.vector_load %arg4[%swap3A_317] {strides = array<i32>} : memref<11008xf32, #tpu.memory_space<vmem>>, vector<16xf32>,
      tpu.vector_store %arg4[%swap3A_317], %bitcast3A_310 {strides = array<i32>} : memref<11008xf32, #tpu.memory_space<vmem>>, vector<16xf32>,
      %all_reduce_population_count3A_319 = tpu.all_reduce %eq3A_293 {dim = 0 : i64, kind = #tpu.reduction_kind<sum>} : vector<16xi1> -> vector<16xi32>
      %add3A_320 = arith.addi %add3A_280, %all_reduce_population_count3A_319 : vector<16xi32>
      %mul3A_321 = arith.constant 8 : i32
      %mul3A_322 = arith.muli %scan3A_51, %mul3A_321 : i32
      %add3A_323 = arith.constant 7 : i32
      %add3A_324 = arith.addi %mul3A_322, %add3A_323 : i32
      %mul3A_325 = arith.constant 16 : i32
      %mul3A_326 = arith.muli %add3A_324, %mul3A_325 : i32
      %get3A_327 = arith.index_cast %mul3A_326 : i32 to index
      %get3A_328 = tpu.vector_load %arg4[%get3A_327] {strides = array<i32>} : memref<11008xf32, #tpu.memory_space<vmem>>, vector<16xf32>,
      %bitcast3A_329 = vector.bitcast %get3A_328 : vector<16xf32> to vector<16xi32>
      %lt3A_330 = vector.broadcast %while3A_41#0 : i32 to vector<16xi32>
      %lt3A_331 = arith.cmpi slt, %bitcast3A_329, %lt3A_330 : vector<16xi32>
      %eq3A_332 = vector.broadcast %while3A_41#0 : i32 to vector<16xi32>
      %eq3A_333 = arith.cmpi eq, %bitcast3A_329, %eq3A_332 : vector<16xi32>
      %jit3A_334 = arith.constant 1 : i32
      %jit3A_335 = arith.constant 0 : i32
      %broadcast_in_dim3A_336 = vector.broadcast %jit3A_334 : i32 to vector<16xi32>
      %broadcast_in_dim3A_337 = vector.broadcast %jit3A_335 : i32 to vector<16xi32>
      %select_n3A_338 = arith.select %eq3A_333, %broadcast_in_dim3A_336, %broadcast_in_dim3A_337 : vector<16xi1>, vector<16xi32>
      %cumsum3A_339 = arith.constant true
      %cumsum3A_340 = vector.broadcast %cumsum3A_339 : i1 to vector<16xi1>
      %cumsum3A_341 = tpu.scan <sum>, %select_n3A_338 masked %cumsum3A_340 : vector<16xi32>, vector<16xi1> -> vector<16xi32>
      %add3A_342 = arith.addi %add3A_320, %cumsum3A_341 : vector<16xi32>
      %le3A_343 = vector.broadcast %sub3A_42 : i32 to vector<16xi32>
      %le3A_344 = arith.cmpi sle, %add3A_342, %le3A_343 : vector<16xi32>
      %and3A_345 = arith.andi %eq3A_333, %le3A_344 : vector<16xi1>
      %or3A_346 = arith.ori %lt3A_331, %and3A_345 : vector<16xi1>
      %jit3A_347 = arith.constant 0 : i32
      %broadcast_in_dim3A_348 = vector.broadcast %jit3A_347 : i32 to vector<16xi32>
      %select_n3A_349 = arith.select %or3A_346, %broadcast_in_dim3A_348, %bitcast3A_329 : vector<16xi1>, vector<16xi32>
      %bitcast3A_350 = vector.bitcast %select_n3A_349 : vector<16xi32> to vector<16xf32>
      %mul3A_351 = arith.constant 8 : i32
      %mul3A_352 = arith.muli %scan3A_51, %mul3A_351 : i32
      %add3A_353 = arith.constant 7 : i32
      %add3A_354 = arith.addi %mul3A_352, %add3A_353 : i32
      %mul3A_355 = arith.constant 16 : i32
      %mul3A_356 = arith.muli %add3A_354, %mul3A_355 : i32
      %swap3A_357 = arith.index_cast %mul3A_356 : i32 to index
      %swap3A_358 = tpu.vector_load %arg4[%swap3A_357] {strides = array<i32>} : memref<11008xf32, #tpu.memory_space<vmem>>, vector<16xf32>,
      tpu.vector_store %arg4[%swap3A_357], %bitcast3A_350 {strides = array<i32>} : memref<11008xf32, #tpu.memory_space<vmem>>, vector<16xf32>,
      %all_reduce_population_count3A_359 = tpu.all_reduce %eq3A_333 {dim = 0 : i64, kind = #tpu.reduction_kind<sum>} : vector<16xi1> -> vector<16xi32>
      %add3A_360 = arith.addi %add3A_320, %all_reduce_population_count3A_359 : vector<16xi32>
      scf.yield %add3A_360 : vector<16xi32>
    }
    %scan3A_50 = arith.constant 86 : i32
    "tpu.region"() ({
      %run_scoped3A = tpu.sem_alloc : memref<!tpu.dma_semaphore, #tpu.memory_space<semaphore_mem>>
      %dma_start3A = arith.constant 0 : i32
      %dma_start3A_51 = tpu.memref_slice %arg3[%add3A, %dma_start3A] : memref<32x11008xf32, #tpu.memory_space<hbm>> -> memref<1x11008xf32, #tpu.memory_space<hbm>>
      %dma_start3A_52 = tpu.memref_squeeze %dma_start3A_51 : memref<1x11008xf32, #tpu.memory_space<hbm>> -> memref<11008xf32, #tpu.memory_space<hbm>>
      %dma_start3A_53 = arith.constant 0 : i32
      %dma_start3A_54 = tpu.memref_slice %arg3[%add3A, %dma_start3A_53] : memref<32x11008xf32, #tpu.memory_space<hbm>> -> memref<1x11008xf32, #tpu.memory_space<hbm>>
      %dma_start3A_55 = tpu.memref_squeeze %dma_start3A_54 : memref<1x11008xf32, #tpu.memory_space<hbm>> -> memref<11008xf32, #tpu.memory_space<hbm>>
      tpu.enqueue_dma source(%arg4 : memref<11008xf32, #tpu.memory_space<vmem>>) target(%dma_start3A_55 : memref<11008xf32, #tpu.memory_space<hbm>>) target_semaphore(%run_scoped3A : memref<!tpu.dma_semaphore, #tpu.memory_space<semaphore_mem>>)
      %dma_wait3A = arith.constant 0 : i32
      %dma_wait3A_56 = tpu.memref_slice %arg3[%add3A, %dma_wait3A] : memref<32x11008xf32, #tpu.memory_space<hbm>> -> memref<1x11008xf32, #tpu.memory_space<hbm>>
      %dma_wait3A_57 = tpu.memref_squeeze %dma_wait3A_56 : memref<1x11008xf32, #tpu.memory_space<hbm>> -> memref<11008xf32, #tpu.memory_space<hbm>>
      %dma_wait3A_58 = arith.constant 0 : i32
      %dma_wait3A_59 = tpu.memref_slice %arg3[%add3A, %dma_wait3A_58] : memref<32x11008xf32, #tpu.memory_space<hbm>> -> memref<1x11008xf32, #tpu.memory_space<hbm>>
      %dma_wait3A_60 = tpu.memref_squeeze %dma_wait3A_59 : memref<1x11008xf32, #tpu.memory_space<hbm>> -> memref<11008xf32, #tpu.memory_space<hbm>>
      tpu.wait_dma2 semaphore(%run_scoped3A : memref<!tpu.dma_semaphore, #tpu.memory_space<semaphore_mem>>) src(%arg4 : memref<11008xf32, #tpu.memory_space<vmem>>) dst(%dma_wait3A_60 : memref<11008xf32, #tpu.memory_space<hbm>>)
      tpu.yield
    }) : () -> ()
    return
  }
}

</mosaic_0001>

<sc_bundles>
// kernel: kernel.3.cloned.1.call-start
scs
__scs_entry_jumppad:
0x0: {  	(pc) =	sbr.rel $0x88, $3  }
0x1: {  	(tag) =	ssettag $0x0;
	lr =	simm.s32 $0x1  }
0x2: {  	[smem:$0x3FA0] =	sst lr;
	_ =	strace $0xD0000000  }
0x3: {  	_ = 	snop  }
0x4: {  	_ = 	snop  }
0x5: {  	_ = 	snop  }
0x6: {  	_ = 	snop  }
0x7: {  	_ = 	snop  }
__scs_overlays_trampoline_lowered:
0x8: {  	[smem:$0x3FAF] =	sst s0  }
0x9: {  	[smem:$0x3FB0] =	sst s1  }
0xa: {  	[smem:$0x3FB1] =	sst s2  }
0xb: {  	[smem:$0x3FB2] =	sst s3  }
0xc: {  	[smem:$0x3FB3] =	sst s4  }
0xd: {  	[smem:$0x3FB4] =	sst s5  }
0xe: {  	[smem:$0x3FB5] =	sst s6  }
0xf: {  	[smem:$0x3FB6] =	sst s7  }
0x10: {  	[smem:$0x3FB7] =	sst s8  }
0x11: {  	[smem:$0x3FB8] =	sst s9;
	s0 =	simm.s32 @!p0 $0x0  }
0x12: {  	s1 =	sld [smem:$0x3F9E];
	s0 =	simm.s32 @p0 $0x1  }
0x13: {  	[smem:$0x3FB9] =	sst s0;
	s0 =	simm.s32 @!p1 $0x0  }
0x14: {  	s2 =	sld [smem:$0x3F9D];
	s0 =	simm.s32 @p1 $0x1  }
0x15: {  	[smem:$0x3FBA] =	sst s0;
	s0 =	simm.s32 @!p2 $0x0  }
0x16: {  	s3 =	sld [smem:$0x3FDB];
	s0 =	simm.s32 @p2 $0x1  }
0x17: {  	s4 =	simm.s32 $0x1BF5;
	[smem:$0x3FBC] =	sst s0  }
0x18: {  	s0 =	sld [smem:$0x3F9F];
	_ =	swait.ge [sflag:s4], $0x0  }
0x19: {  	s7 =	sld [smem:$0x3FA0]  }
0x1a: {  	s8 =	sadd.s32 $0xFFFFE003, lr  }
0x1b: {  	s9 =	sadd.s32 $0xFFFFFEF7, lr;
	s5 =	simm.s32 $0xFFFFFFFF;
	p2 =	slt.u32 s8, $0xFFFFF086  }
0x1c: {  	p1 =	slt.u32 s9, $0xF7A;
	s5 =	simm.s32 @!p2 $0x0  }
0x1d: {  	s5 =	simm.s32 @p1 $0x1;
	p0 =	seq.s32 s7, s2  }
0x1e: {  	s7 =	smul.u32 @!p0 $0xF7A, s2;
	p2 =	seq.s32 @!p0 s5, $0x0  }
0x1f: {  	s9 =	smul.u32 $0xF7A, s1;
	s8 =	simm.s32 @!p0 $0x1BF5;
	p2 =	por !p2, p0  }
0x20: {  	[sflag:s8] =	ssyncset.s32 @!p0 $0xFFFFF086;
	s6 =	sadd.s32 @!p0 s3, s7;
	s7 =	simm.s32 @!p0 $0x108  }
0x21: {  	s3 =	sadd.s32 s3, s9;
	s6 =	sadd.s32 @!p0 $0x88, s6;
	s7 =	simm.s32 @p2 $0x1082  }
0x22: {  	[simem:s7], [sflag:s8] =	dma.local @!p0 [hbm:s6], $0xF7A  }
0x23: {  	s9 =	sor.u32 $0xD0000000, s2;
	s6 =	simm.s32 $0x108;
	_ =	swait.ge @!p0 [sflag:s8], $0x0  }
0x24: {  	s3 =	sadd.s32 $0x88, s3;
	s6 =	simm.s32 @!p1 $0x1082;
	[sflag:s4] =	ssyncset.s32 $0xFFFFF086  }
0x25: {  	[simem:s6], [sflag:s4] =	dma.local [hbm:s3], $0xF7A  }
0x26: {  	[smem:$0x3FA0] =	sst s1;
	(tag) =	ssettag s2;
	_ =	strace s9  }
0x27: {  	s1 =	sld [smem:$0x3FB0]  }
0x28: {  	s2 =	sld [smem:$0x3FB1]  }
0x29: {  	s4 =	sld [smem:$0x3FB3]  }
0x2a: {  	p0 =	seq.s32 s5, $0x0;
	s5 =	sld [smem:$0x3FB4]  }
0x2b: {  	s6 =	sld [smem:$0x3FB5]  }
0x2c: {  	s7 =	sld [smem:$0x3FB6]  }
0x2d: {  	s3 =	simm.s32 $0x108;
	s8 =	sld [smem:$0x3FB7]  }
0x2e: {  	s3 =	simm.s32 @!p0 $0x1082;
	s9 =	sld [smem:$0x3FB8]  }
0x2f: {  	lr =	sadd.s32 s0, s3;
	s0 =	sld [smem:$0x3FAF]  }
0x30: {  	s3 =	sld [smem:$0x3FB2]  }
0x31: {  	[smem:$0x3FBB] =	sst s10  }
0x32: {  	s10 =	sld [smem:$0x3FB9];
	_ =	sdelay $0x3  }
0x33: {  	p0 =	seq.s32 s10, $0x1;
	s10 =	sld [smem:$0x3FBB];
	_ =	sdelay $0x3  }
0x34: {  	[smem:$0x3FBB] =	sst s10  }
0x35: {  	s10 =	sld [smem:$0x3FBA];
	_ =	sdelay $0x3  }
0x36: {  	p1 =	seq.s32 s10, $0x1;
	s10 =	sld [smem:$0x3FBB];
	_ =	sdelay $0x3  }
0x37: {  	[smem:$0x3FBB] =	sst s10  }
0x38: {  	s10 =	sld [smem:$0x3FBC]  }
0x39: {  	_ = 	snop;
	(pc) =	sbr.ind lr, $3  }
0x3a: {  	_ = 	snop  }
0x3b: {  	_ = 	snop  }
0x3c: {  	p2 =	seq.s32 s10, $0x1;
	s10 =	sld [smem:$0x3FBB]  }
0x3d: {  	_ =	shalt  }
0x3e: {  	_ =	shalt  }
0x3f: {  	_ =	shalt  }
0x40: {  	_ =	shalt  }
0x41: {  	_ =	shalt  }
0x42: {  	_ =	shalt  }
0x43: {  	_ =	shalt  }
0x44: {  	_ =	shalt  }
0x45: {  	_ =	shalt  }
0x46: {  	_ =	shalt  }
0x47: {  	_ =	shalt  }
0x48: {  	_ =	shalt  }
0x49: {  	_ =	shalt  }
0x4a: {  	_ =	shalt  }
0x4b: {  	_ =	shalt  }
0x4c: {  	_ =	shalt  }
0x4d: {  	_ =	shalt  }
0x4e: {  	_ =	shalt  }
0x4f: {  	_ =	shalt  }
0x50: {  	_ =	shalt  }
0x51: {  	_ =	shalt  }
0x52: {  	_ =	shalt  }
0x53: {  	_ =	shalt  }
0x54: {  	_ =	shalt  }
0x55: {  	_ =	shalt  }
0x56: {  	_ =	shalt  }
0x57: {  	_ =	shalt  }
0x58: {  	_ =	shalt  }
0x59: {  	_ =	shalt  }
0x5a: {  	_ =	shalt  }
0x5b: {  	_ =	shalt  }
0x5c: {  	_ =	shalt  }
0x5d: {  	_ =	shalt  }
0x5e: {  	_ =	shalt  }
0x5f: {  	_ =	shalt  }
0x60: {  	_ =	shalt  }
0x61: {  	_ =	shalt  }
0x62: {  	_ =	shalt  }
0x63: {  	_ =	shalt  }
0x64: {  	_ =	shalt  }
0x65: {  	_ =	shalt  }
0x66: {  	_ =	shalt  }
0x67: {  	_ =	shalt  }
0x68: {  	_ =	shalt  }
0x69: {  	_ =	shalt  }
0x6a: {  	_ =	shalt  }
0x6b: {  	_ =	shalt  }
0x6c: {  	_ =	shalt  }
0x6d: {  	_ =	shalt  }
0x6e: {  	_ =	shalt  }
0x6f: {  	_ =	shalt  }
0x70: {  	_ =	shalt  }
0x71: {  	_ =	shalt  }
0x72: {  	_ =	shalt  }
0x73: {  	_ =	shalt  }
0x74: {  	_ =	shalt  }
0x75: {  	_ =	shalt  }
0x76: {  	_ =	shalt  }
0x77: {  	_ =	shalt  }
0x78: {  	_ =	shalt  }
0x79: {  	_ =	shalt  }
0x7a: {  	_ =	shalt  }
0x7b: {  	_ =	shalt  }
0x7c: {  	_ =	shalt  }
0x7d: {  	_ =	shalt  }
0x7e: {  	_ =	shalt  }
0x7f: {  	_ =	shalt  }
0x80: {  	_ =	shalt  }
0x81: {  	_ =	shalt  }
0x82: {  	_ =	shalt  }
0x83: {  	_ =	shalt  }
0x84: {  	_ =	shalt  }
0x85: {  	_ =	shalt  }
0x86: {  	_ =	shalt  }
0x87: {  	_ =	shalt  }
.Lfunc_end0:
.L_simem_size_0:
called_computation_lowered:
.L_overlay_start_0:
0x88: {  	s2 =	sld [smem:$0x3FD9]  }
0x89: {  	s3 =	sld [smem:$0x3FFE];
	_ =	sdelay $0x1  }
0x8a: {  	s1 =	srdreg.scid  }
0x8b: {  	s0 =	sand.u32 $0x1, s1  }
0x8c: {  	s17 =	sshll.u32 s0, $0xA;
	s2 =	sadd.s32 s3, s2  }
0x8d: {  	s2 =	sadd.s32 s2, s17  }
0x8e: {  	[smem:$0x3FC7] =	sst s2  }
0x8f: {  	_ = 	snop  }
0x90: {  	s2 =	sld [smem:$0x3FD0];
	(tm) =	ssettm $0x1  }
0x91: {  	s18 =	sld [smem:$0x3FFB];
	_ =	sdelay $0x3  }
0x92: {  	_ =	strace s18  }
0x93: {  	s3 =	sld [smem:$0x3FFC];
	_ =	sdelay $0x3  }
0x94: {  	_ =	strace s3  }
0x95: {  	s3 =	sld [smem:$0x3FFD];
	_ =	sdelay $0x3  }
0x96: {  	_ =	strace s3  }
0x97: {  	_ =	strace $0x8FFFFFFF  }
0x98: {  	s19 =	sld [smem:$0x3FDB];
	_ =	sdelay $0x1  }
0x99: {  	s4 =	simm.s32 $_scs_section_size  }
0x9a: {  	s5 =	simm.s32 $_size__tile_overlayer_lowered;
	s6 =	simm.s32 $_tile_overlayer_lowered  }
0x9b: {  	s22 =	simm.s32 $0x1BFF;
	s21 =	sshll.u32 s6, $0x1;
	s3 =	sadd.s32 s4, s19  }
0x9c: {  	s7 =	simm.s32 $0x0;
	s20 =	sshll.u32 s5, $0x1;
	s5 =	sadd.s32 s21, s3  }
0x9d: {  	[timem:s7], [sflag:s22] =	dma.local [hbm:s5], s20  }
0x9e: {  	_ =	swait.ge [sflag:s22], s20  }
0x9f: {  	s4 =	ssub.s32 $0x0, s20;
	[sflag:s22] =	ssyncset.done $0x0  }
0xa0: {  	[sflag:s22] =	ssyncadd.s32 s4;
	_ =	sdelay $0x1  }
0xa1: {  	s23 =	simm.s32 $0x1B8B  }
0xa2: {  	_ =	swait.ge [sflag:s23], $0x1  }
0xa3: {  	[sflag:s23] =	ssyncset.done $0x0  }
0xa4: {  	s25 =	simm.s32 $0x1B8E;
	s24 =	sld [smem:$0x3FFE];
	[sflag:s23] =	ssyncadd.s32 $0xFFFFFFFF  }
0xa5: {  	s26 =	simm.s32 $execute0_lowered;
	[smem:$0x3FD2] =	sst s25  }
0xa6: {  	s5 =	sshll.u32 s26, $0x1;
	_ =	strace $0x80000046;
	[dreg:$0x1] =	wrdreg $0xFFFFFFFF  }
0xa7: {  	s28 =	simm.s32 $_size_execute0_lowered;
	s3 =	sadd.s32 s3, s5;
	[dreg:$0x0] =	wrdreg $0x0  }
0xa8: {  	s5 =	sshll.u32 s28, $0x1;
	[dreg:$0x2] =	wrdreg s3  }
0xa9: {  	[dreg:$0x3] =	wrdreg s5  }
0xaa: {  	[dreg:$0x4] =	wrdreg $0xC0  }
0xab: {  	_ =	task [dreg:s7], $0x5FFFF  }
0xac: {  	[dreg:$0x1] =	wrdreg $0xFFFFFFFF  }
0xad: {  	[dreg:$0x0] =	wrdreg $0x60  }
0xae: {  	[dreg:$0x2] =	wrdreg s24  }
0xaf: {  	[dreg:$0x3] =	wrdreg s2  }
0xb0: {  	[dreg:$0x4] =	wrdreg $0x9  }
0xb1: {  	_ =	task.clear_ibuf [dreg:s7], $0x5FFFF;
	_ =	strace $0x90000046  }
0xb2: {  	s29 =	simm.s32 $0x9;
	_ =	strace $0x80000048  }
0xb3: {  	_ =	swait.ge [sflag:s29], $0x1  }
0xb4: {  	[sflag:s29] =	ssyncadd.s32 $0xFFFFFFFF  }
0xb5: {  	_ =	strace $0x90000048  }
0xb6: {  	_ =	sfence  }
0xb7: {  	s30 =	sld [smem:$0x0];
	_ =	sdelay $0x2  }
0xb8: {  	s31 =	sshll.u32 s1, $0xD;
	s1 =	sshrl.u32 s1, $0x2  }
0xb9: {  	s3 =	sand.u32 $0x4000, s31;
	s1 =	sadd.s32 s1, s30  }
0xba: {  	s0 =	sor.u32 s3, s0;
	s1 =	sshll.u32 s1, $0x11  }
0xbb: {  	s0 =	sor.u32 s1, s0  }
0xbc: {  	s0 =	sadd.s32 $0x8F2B, s0  }
0xbd: {  	[sflag:s0] =	ssyncadd.remote.s32 $0x1  }
0xbe: {  	_ =	sfence.sel $0xFFFF  }
0xbf: {  	[dreg:$0x0] =	wrdreg $0xFFFFFFFF;
	(pc) =	sbr.abs _section_cstart, $3  }
0xc0: {  	[dreg:$0x1] =	wrdreg $0xFFFFFFFF  }
0xc1: {  	_ =	task.clear_ibuf [dreg:s7], $0x2FFFF;
	_ =	strace $0x9FFFFFFF  }
0xc2: {  	(tm) =	ssettm $0x7FFFFFFF  }
0xc3: {  	_ =	shalt  }
tec
execute0_lowered:
.L_overlay_start_1:
0x0: {  	(tag) =	ssettag $0x1  }
0x1: {  	s3 =	rddreg [dreg:$0x0];
	s1 =	srdreg.scid  }
0x2: {  	s0 =	stileid.u32;
	s6 =	rddreg [dreg:$0x1]  }
0x3: {  	s4 =	sand.u32 $0x1, s1;
	s30 =	sshrl.u32 s0, $0x2;
	s2 =	sshll.u32 s0, $0x8  }
0x4: {  	s5 =	smul.u32 $0x15800, s30;
	s31 =	sshll.u32 s4, $0x7;
	s2 =	sand.u32 $0x300, s2  }
0x5: {  	s8 =	simm.s32 $0x1;
	s9 =	simm.s32 $0x0;
	s2 =	sor.u32 s31, s2  }
0x6: {  	s1 =	rddreg [dreg:$0x2];
	s4 =	ssub.s32 $0x2, s4;
	s5 =	sor.u32 s5, s2  }
0x7: {  	s7 =	sshrl.u32 s4, $0x1;
	s2 =	simm.s32 $0x0;
	s5 =	sshrl.u32 s5, $0x3  }
0x8: {  	s7 =	ssub.s32 s4, s7;
	[smem:$0x7FF] =	sst s2;
	s3 =	sadd.s32 s5, s3  }
0x9: {  	_ =	strace $0x80000047;
	s4 =	sadd.s32 s6, s5;
	s5 =	smax.u32 s7, $0x1  }
0xa: {  	v0 =	vimm.s32 $0x0;
	s6 =	simm.s32 $0x80;
	s7 =	simm.s32 $0x400;
	s3 =	sadd.s32 $0x400, s3  }
.LBB2_1:
0xb: {  	[tilespmem:s2], [sflag:$0x1] =	stream.strided.gather [hbm4b:s3+s6], $0x2B00, s7, s6, $0x38;
	[tilespmem:$0x2B00] =	vst v63  }
0xc: {  	_ =	swait.ge [sflag:s8], $0x2B00  }
0xd: {  	[sflag:s8] =	ssyncset.done $0x0  }
0xe: {  	s11 =	simm.s32 $0x0;
	[sflag:s8] =	ssyncadd.s32 $0xFFFFD500  }
0xf: {  	v9 =	vld [tilespmem:s11+$0x30]  }
0x10: {  	v3 =	vld [tilespmem:s11+$0x20]  }
0x11: {  	v7 =	vld [tilespmem:s11+$0x0]  }
0x12: {  	v2 =	vld [tilespmem:s11+$0x10]  }
0x13: {  	v5 =	vimm.s32 $0x3F800000;
	v1 =	vld [tilespmem:s11+$0x70]  }
0x14: {  	v14 =	vimm.s32 $0x0;
	v10 =	vimm.s32 $0x0;
	v12 =	vimm.s32 $0x0;
	v6 =	vld [tilespmem:s11+$0x60]  }
0x15: {  	vm1 =	vgt.s32 v0, v9;
	vm0 =	vlt.s32 v5, v3;
	vm2 =	vgt.s32 v0, v3  }
0x16: {  	v4 =	vld [tilespmem:s11+$0x50];
	vm3 =	vlt.s32 v5, v7;
	vm4 =	vlt.s32 v5, v9;
	v15 =	vsel vm0, v5, v3  }
0x17: {  	v8 =	vsel vm3, v5, v7;
	v13 =	vsel vm1, v0, v9;
	v11 =	vsel vm4, v5, v9;
	v9 =	vld [tilespmem:s11+$0x40]  }
0x18: {  	s10 =	simm.s32 $0x200;
	vm0 =	vlt.s32 v5, v2;
	vm3 =	vgt.s32 v0, v2;
	vm1 =	vgt.s32 v13, v1  }
.LBB2_2:
0x19: {  	s11 =	sshra.s32 s10, $0x2;
	p0 =	sne.s32 s10, $0xAA00;
	s10 =	sadd.s32 $0x200, s10;
	v14 =	vsel vm2, v14, v3;
	vm2 =	vlt.s32 v15, v6;
	v13 =	vsel vm1, v13, v1  }
0x1a: {  	vm1 =	vgt.s32 v10, v7;
	v16 =	vld [tilespmem:s11+$0x30];
	v15 =	vsel vm2, v15, v6;
	vm2 =	vgt.s32 v14, v6  }
0x1b: {  	v12 =	vsel vm3, v12, v2;
	v3 =	vld [tilespmem:s11+$0x20];
	v14 =	vsel vm2, v14, v6;
	vm2 =	vlt.s32 v11, v1  }
0x1c: {  	vm4 =	vgt.s32 v12, v4;
	v17 =	vld [tilespmem:s11+$0x0];
	vm3 =	vlt.s32 v8, v9;
	v11 =	vsel vm2, v11, v1  }
0x1d: {  	v5 =	vsel vm0, v5, v2;
	v7 =	vsel vm1, v10, v7;
	v12 =	vsel vm4, v12, v4;
	v2 =	vld [tilespmem:s11+$0x10]  }
0x1e: {  	vm1 =	vlt.s32 v5, v4;
	vm0 =	vgt.s32 v7, v9;
	v8 =	vsel vm3, v8, v9;
	v1 =	vld [tilespmem:s11+$0x70]  }
.Ltmp0:
0x1f: {  	v5 =	vsel vm1, v5, v4;
	v10 =	vsel vm0, v7, v9;
	vm3 =	vgt.s32 v13, v16;
	v6 =	vld [tilespmem:s11+$0x60];
	(pc) =	sbr.rel @p0 .LBB2_2-.Ltmp0, $4  }
0x20: {  	vm0 =	vlt.s32 v15, v3;
	vm2 =	vgt.s32 v14, v3  }
0x21: {  	vm4 =	vlt.s32 v11, v16;
	vm1 =	vlt.s32 v8, v17;
	v15 =	vsel vm0, v15, v3;
	v4 =	vld [tilespmem:s11+$0x50];
	v7 =	vmovc v17  }
0x22: {  	v13 =	vsel vm3, v13, v16;
	v8 =	vsel vm1, v8, v7;
	vm0 =	vlt.s32 v5, v2;
	v9 =	vld [tilespmem:s11+$0x40]  }
0x23: {  	v11 =	vsel vm4, v11, v16;
	vm3 =	vgt.s32 v12, v2;
	vm1 =	vgt.s32 v13, v1  }
0x24: {  	v3 =	vsel vm2, v14, v3;
	vm13 =	vlt.s32 v15, v6  }
0x25: {  	vm4 =	vgt.s32 v10, v7;
	v12 =	vsel vm3, v12, v2;
	v2 =	vsel vm0, v5, v2  }
0x26: {  	v59 =	vsel vm13, v15, v6;
	vm14 =	vgt.s32 v3, v6;
	v60 =	vsel vm4, v10, v7  }
0x27: {  	vm8 =	vgt.s32 v12, v4;
	vm9 =	vlt.s32 v2, v4;
	vm15 =	vlt.s32 v8, v9  }
0x28: {  	vm10 =	vgt.s32 v60, v9;
	v2 =	vsel vm9, v2, v4;
	v61 =	vsel vm15, v8, v9  }
0x29: {  	v62 =	vsel vm8, v12, v4;
	v5 =	vsel vm10, v60, v9;
	vm11 =	vlt.s32 v61, v2  }
0x2a: {  	vm13 =	vlt.s32 v11, v1;
	vm12 =	vgt.s32 v5, v62;
	v2 =	vsel vm11, v61, v2  }
0x2b: {  	v3 =	vsel vm14, v3, v6;
	v4 =	vsel vm12, v5, v62;
	vm14 =	vlt.s32 v2, v59  }
0x2c: {  	v63 =	vsel vm13, v11, v1;
	vm0 =	vgt.s32 v4, v3;
	v2 =	vsel vm14, v2, v59  }
0x2d: {  	v1 =	vsel vm1, v13, v1;
	v3 =	vsel vm0, v4, v3;
	vm15 =	vlt.s32 v2, v63  }
0x2e: {  	vm0 =	vgt.s32 v3, v1;
	v2 =	vsel vm15, v2, v63  }
0x2f: {  	v1 =	vsel vm0, v3, v1;
	v2 =	vxor.u32 $0x80000000, v2  }
0x30: {  	v1 =	vxor.u32 $0x80000000, v1;
	(xrf0) =	vmin.scan.msk.u32 $0xffff, v2  }
0x31: {  	(xrf0) =	vmax.scan.msk.u32 $0xffff, v1;
	_ =	sdelay $0x4  }
0x32: {  	v1, _, _ =	vpop (xrf0)  }
0x33: {  	(v2sf) =	vpush v1, $0xF;
	v1, _, _ =	vpop (xrf0)  }
0x34: {  	(v2sf) =	vpush v1, $0xF;
	_ =	sdelay $0xd  }
0x35: {  	s10 =	spop (v2sf)  }
0x36: {  	s11 =	spop (v2sf)  }
0x37: {  	s13 =	sxor.u32 $0x80000000, s10;
	s10 =	sxor.u32 $0x80000000, s11  }
0x38: {  	p0 =	sge.s32 s13, s10  }
.Ltmp1:
0x39: {  	_ = 	snop;
	(pc) =	sbr.rel @p0 .LBB2_8-.Ltmp1, $3  }
0x3a: {  	_ =	sdelay $0x1  }
0x3b: {  	s15 =	simm.s32 $0x1580;
	s14 =	simm.s32 $0x0  }
0x3c: {  	s12 =	simm.s32 $0x0;
	s11 =	simm.s32 $0x2B00;
	s16 =	smov.u32 s13  }
.LBB2_4:
0x3d: {  	s15 =	ssub.s32 s11, s14  }
0x3e: {  	p0 =	sgt.s32 s15, $0x1  }
0x3f: {  	s15 =	simm.s32 @!p0 $0x1  }
0x40: {  	v1 =	vmov s15  }
0x41: {  	v1 =	vcvt.s32.f32 v1;
	_ =	sdelay $0x1  }
0x42: {  	v1 =	vbroadcast v1, $0x0;
	_ =	sdelay $0x1  }
0x43: {  	(erf) = vrcp.f32 v1;
	_ =	sdelay $0x3  }
0x44: {  	s30 =	ssub.s32 $0x1580, s14  }
0x45: {  	v1 =	vmov s30  }
0x46: {  	s31 =	ssub.s32 s10, s13;
	v1 =	vcvt.s32.f32 v1  }
0x47: {  	v2 =	vmov s31  }
0x48: {  	v2 =	vcvt.s32.f32 v2;
	v1 =	vbroadcast v1, $0x0  }
0x49: {  	v3 =	vpop (erf)  }
0x4a: {  	v2 =	vbroadcast v2, $0x0;
	v1 =	vmul.f32 v3, v1;
	_ =	sdelay $0x1  }
0x4b: {  	v1 =	vmul.f32 v1, v2;
	_ =	sdelay $0x1  }
0x4c: {  	v1 =	vtrunc.f32 v1  }
0x4d: {  	v1 =	vcvt.f32.s32 v1;
	_ =	sdelay $0x1  }
0x4e: {  	v1 =	vxor.u32 $0x80000000, v1  }
0x4f: {  	(xrf0) =	vmax.scan.msk.u32 $0xffff, v1;
	_ =	sdelay $0x5  }
0x50: {  	v1, _, _ =	vpop (xrf0)  }
0x51: {  	(v2sf) =	vpush v1, $0xF;
	_ =	sdelay $0xd  }
0x52: {  	s16 =	simm.s32 $0x0  }
0x53: {  	v4 =	vld [tilespmem:s16+$0x60];
	s17 =	spop (v2sf)  }
0x54: {  	v6 =	vld [tilespmem:s16+$0x70];
	s17 =	sadd.s32 s17, s13  }
0x55: {  	v7 =	vld [tilespmem:s16+$0x0];
	s17 =	sadd.s32 $0x80000000, s17  }
0x56: {  	v9 =	vld [tilespmem:s16+$0x10];
	p0 =	sgt.s32 s13, s17  }
0x57: {  	s18 =	sadd.s32 $0xFFFFFFFF, s10;
	v2 =	vld [tilespmem:s16+$0x40];
	s17 =	smov.u32 @p0 s13  }
0x58: {  	s15 =	sshra.s32 s31, $0x1;
	v3 =	vld [tilespmem:s16+$0x50];
	p0 =	slt.s32 s18, s17  }
0x59: {  	v10 =	vld [tilespmem:s16+$0x20];
	s15 =	sadd.s32 s13, s15;
	s17 =	smov.u32 @p0 s18;
	p0 =	seq.s32 s12, $0x0  }
0x5a: {  	v11 =	vld [tilespmem:s16+$0x30];
	s15 =	smov.u32 @p0 s17  }
0x5b: {  	s16 =	simm.s32 $0x80;
	v1 =	vmov s15  }
0x5c: {  	v5 =	vimm.s32 $0x0;
	v12 =	vimm.s32 $0x0;
	v8 =	vld [tilespmem:s16+$0x40];
	vm0 =	vle.s32 v2, v1  }
0x5d: {  	vm1 =	vle.s32 v3, v1;
	v2 =	vld [tilespmem:s16+$0x50];
	vm2 =	vle.s32 v4, v1;
	vm3 =	vle.s32 v7, v1  }
0x5e: {  	vm4 =	vle.s32 v9, v1;
	v3 =	vld [tilespmem:s16+$0x60];
	vm5 =	vle.s32 v6, v1;
	vm14 =	vle.s32 v10, v1  }
0x5f: {  	v4 =	vld [tilespmem:s16+$0x70];
	vm15 =	vle.s32 v11, v1;
	v6 =	vmpcnt.ones.xlane vm3;
	v10 =	vmpcnt.ones.xlane vm0  }
0x60: {  	v7 =	vld [tilespmem:s16+$0x0];
	v11 =	vimm.s32 $0x0;
	v14 =	vmpcnt.ones.xlane vm4;
	v13 =	vmpcnt.ones.xlane vm1  }
0x61: {  	v9 =	vld [tilespmem:s16+$0x10];
	v15 =	vmpcnt.ones.xlane vm14;
	v16 =	vmpcnt.ones.xlane vm15;
	v6 =	vadd.s32 v5, v6  }
0x62: {  	s17 =	simm.s32 $0x400;
	v17 =	vmpcnt.ones.xlane vm2;
	v18 =	vmpcnt.ones.xlane vm5;
	v6 =	vadd.s32 v10, v6;
	v10 =	vld [tilespmem:s16+$0x20]  }
.LBB2_5:
0x63: {  	p0 =	sne.s32 s17, $0xAA00;
	v19 =	vld [tilespmem:s16+$0x30];
	s16 =	sshra.s32 s17, $0x2;
	v5 =	vadd.s32 v5, v14;
	v11 =	vadd.s32 v11, v15;
	v12 =	vadd.s32 v12, v16  }
0x64: {  	v20 =	vld [tilespmem:s16+$0x40];
	v5 =	vadd.s32 v13, v5;
	v11 =	vadd.s32 v17, v11;
	v12 =	vadd.s32 v18, v12  }
0x65: {  	vm0 =	vle.s32 v8, v1;
	vm1 =	vle.s32 v2, v1;
	vm2 =	vle.s32 v3, v1;
	v2 =	vld [tilespmem:s16+$0x50]  }
.Ltmp2:
0x66: {  	vm5 =	vle.s32 v4, v1;
	vm3 =	vle.s32 v7, v1;
	v3 =	vld [tilespmem:s16+$0x60];
	vm4 =	vle.s32 v9, v1;
	(pc) =	sbr.rel @p0 .LBB2_5-.Ltmp2, $4  }
0x67: {  	v17 =	vmpcnt.ones.xlane vm0;
	v18 =	vmpcnt.ones.xlane vm3;
	v4 =	vld [tilespmem:s16+$0x70];
	vm3 =	vle.s32 v10, v1  }
0x68: {  	v13 =	vmpcnt.ones.xlane vm1;
	v14 =	vmpcnt.ones.xlane vm4;
	v7 =	vld [tilespmem:s16+$0x0];
	vm0 =	vle.s32 v19, v1  }
0x69: {  	v6 =	vadd.s32 v6, v18;
	v15 =	vmpcnt.ones.xlane vm3;
	v9 =	vld [tilespmem:s16+$0x10];
	v16 =	vmpcnt.ones.xlane vm0;
	v8 =	vmovc v20  }
0x6a: {  	s17 =	sadd.s32 $0x200, s17;
	v18 =	vmpcnt.ones.xlane vm5;
	v6 =	vadd.s32 v17, v6;
	v17 =	vmpcnt.ones.xlane vm2;
	v10 =	vld [tilespmem:s16+$0x20]  }
0x6b: {  	v19 =	vld [tilespmem:s16+$0x30];
	v5 =	vadd.s32 v5, v14;
	v11 =	vadd.s32 v11, v15;
	v12 =	vadd.s32 v12, v16  }
0x6c: {  	vm0 =	vle.s32 v8, v1;
	vm1 =	vle.s32 v2, v1;
	vm2 =	vle.s32 v3, v1  }
0x6d: {  	v5 =	vadd.s32 v13, v5;
	v11 =	vadd.s32 v17, v11;
	v12 =	vadd.s32 v18, v12  }
0x6e: {  	vm5 =	vle.s32 v4, v1;
	v3 =	vmpcnt.ones.xlane vm0;
	vm3 =	vle.s32 v7, v1  }
0x6f: {  	vm4 =	vle.s32 v9, v1;
	v2 =	vmpcnt.ones.xlane vm3;
	vm14 =	vle.s32 v10, v1  }
0x70: {  	v59 =	vmpcnt.ones.xlane vm4;
	vm15 =	vle.s32 v19, v1;
	v1 =	vmpcnt.ones.xlane vm1  }
0x71: {  	v2 =	vadd.s32 v6, v2;
	v60 =	vmpcnt.ones.xlane vm14;
	v61 =	vmpcnt.ones.xlane vm15  }
0x72: {  	v2 =	vadd.s32 v3, v2;
	v3 =	vmpcnt.ones.xlane vm2;
	v4 =	vadd.s32 v5, v59  }
0x73: {  	v62 =	vmpcnt.ones.xlane vm5;
	v6 =	vadd.s32 v11, v60;
	v1 =	vadd.s32 v1, v4  }
0x74: {  	v63 =	vadd.s32 v12, v61;
	v3 =	vadd.s32 v3, v6;
	v1 =	vadd.s32 v2, v1  }
0x75: {  	v2 =	vadd.s32 v62, v63;
	v1 =	vadd.s32 v3, v1  }
0x76: {  	v1 =	vadd.s32 v2, v1  }
0x77: {  	v1 =	vxor.u32 $0x80000000, v1  }
0x78: {  	(xrf0) =	vmax.scan.msk.u32 $0xffff, v1;
	_ =	sdelay $0x5  }
0x79: {  	v1, _, _ =	vpop (xrf0)  }
0x7a: {  	(v2sf) =	vpush v1, $0xF;
	_ =	sdelay $0xe  }
0x7b: {  	s31 =	spop (v2sf)  }
0x7c: {  	s17 =	sxor.u32 $0x80000000, s31  }
0x7d: {  	s16 =	sadd.s32 $0x1, s15;
	p0 =	sgt.s32 s17, $0x157F  }
0x7e: {  	s16 =	smov.u32 @p0 s13;
	s10 =	smov.u32 @p0 s15  }
0x7f: {  	p1 =	slt.s32 s16, s10  }
.Ltmp3:
0x80: {  	_ = 	snop;
	(pc) =	sbr.rel @p1 .LBB2_4-.Ltmp3, $4  }
0x81: {  	_ = 	snop  }
0x82: {  	s15 =	smov.u32 s17  }
0x83: {  	s12 =	sxor.u32 $0x1, s12;
	s15 =	smov.u32 @p0 s14  }
0x84: {  	s11 =	smov.u32 @p0 s17;
	s13 =	smov.u32 s16;
	s14 =	smov.u32 s15  }
0x85: {  	s15 =	ssub.s32 $0x1580, s15  }
.LBB2_8:
0x86: {  	s10 =	simm.s32 $0x0  }
0x87: {  	v12 =	vld [tilespmem:s10+$0x0]  }
0x88: {  	v7 =	vld [tilespmem:s10+$0x20]  }
0x89: {  	v13 =	vld [tilespmem:s10+$0x10]  }
0x8a: {  	v6 =	vld [tilespmem:s10+$0x40]  }
0x8b: {  	v5 =	vmov s16;
	v3 =	vld [tilespmem:s10+$0x30]  }
0x8c: {  	v2 =	vld [tilespmem:s10+$0x70];
	vm10 =	veq.s32 v12, v5  }
0x8d: {  	v1 =	vmov s15;
	v10 =	vimm.s32 $0x0;
	v4 =	vld [tilespmem:s10+$0x50];
	v9 =	vsel vm10, $0x1, v0  }
0x8e: {  	vm11 =	vlt.s32 v12, v5;
	vm3 =	vlt.s32 v7, v5;
	vm6 =	veq.s32 v7, v5;
	(xrf0) =	vadd.scan.msk.s32 $0xffff, v9  }
0x8f: {  	vm12 =	veq.s32 v13, v5;
	vm8 =	veq.s32 v6, v5;
	v8 =	vmpcnt.ones.xlane vm10  }
0x90: {  	vm7 =	vlt.s32 v6, v5;
	vm13 =	vlt.s32 v13, v5;
	vm0 =	vlt.s32 v3, v5  }
0x91: {  	vm5 =	veq.s32 v2, v5;
	v9 =	vsel vm12, $0x1, v0;
	v14 =	vadd.s32 v10, v8;
	v8 =	vld [tilespmem:s10+$0x60]  }
0x92: {  	vm2 =	veq.s32 v3, v5;
	vm4 =	vlt.s32 v2, v5;
	vm1 =	veq.s32 v4, v5;
	(xrf0) =	vadd.scan.msk.s32 $0xffff, v9  }
0x93: {  	v11 =	vmpcnt.ones.xlane vm6;
	v15 =	vmpcnt.ones.xlane vm12;
	v17 =	vsel vm8, $0x1, v0  }
0x94: {  	v16 =	vsel vm6, $0x1, v0;
	v18 =	vmpcnt.ones.xlane vm8;
	v60 =	vsel vm5, $0x1, v0;
	(xrf0) =	vadd.scan.msk.s32 $0xffff, v17;
	v20, _, _ =	vpop (xrf0)  }
0x95: {  	v61 =	vmpcnt.ones.xlane vm2;
	v15 =	vadd.s32 v14, v15;
	(xrf0) =	vadd.scan.msk.s32 $0xffff, v16;
	v10 =	vadd.s32 v10, v20  }
0x96: {  	v9 =	vadd.s32 v15, v11;
	v11 =	vsel vm2, $0x1, v0;
	vm9 =	veq.s32 v8, v5  }
0x97: {  	v19 =	vsel vm1, $0x1, v0;
	(xrf0) =	vadd.scan.msk.s32 $0xffff, v11;
	v21 =	vsel vm9, $0x1, v0;
	vm14 =	vle.s32 v10, v1  }
0x98: {  	v62 =	vmpcnt.ones.xlane vm1;
	v16 =	vadd.s32 v9, v61;
	(xrf0) =	vadd.scan.msk.s32 $0xffff, v21;
	vm14 =	vmand vm10, vm14;
	v10, _, _ =	vpop (xrf0)  }
0x99: {  	v11 =	vmpcnt.ones.xlane vm9;
	vm11 =	vmor vm11, vm14;
	(xrf0) =	vadd.scan.msk.s32 $0xffff, v19;
	v10 =	vadd.s32 v14, v10  }
0x9a: {  	vm10 =	vlt.s32 v8, v5;
	v14, _, _ =	vpop (xrf0);
	v12 =	vsel vm11, $0x0, v12;
	(xrf0) =	vadd.scan.msk.s32 $0xffff, v60;
	vm14 =	vle.s32 v10, v1  }
0x9b: {  	v10 =	vadd.s32 v16, v18;
	v14 =	vadd.s32 v16, v14;
	v63, _, _ =	vpop (xrf0);
	vm11 =	vmand vm12, vm14  }
0x9c: {  	v15 =	vadd.s32 v15, v63;
	vm12 =	vmor vm13, vm11;
	vm11 =	vle.s32 v14, v1  }
0x9d: {  	s11 =	simm.s32 $0x200;
	[tilespmem:s10+$0x0] =	vst v12;
	v14 =	vadd.s32 v10, v62;
	v12 =	vsel vm12, $0x0, v13;
	vm12 =	vle.s32 v15, v1;
	v13, _, _ =	vpop (xrf0)  }
.LBB2_9:
0x9e: {  	s12 =	sshra.s32 s11, $0x2;
	p0 =	sne.s32 s11, $0xAA00;
	s11 =	sadd.s32 $0x200, s11;
	vm6 =	vmand vm6, vm12;
	vm8 =	vmand vm8, vm11;
	v15 =	vmpcnt.ones.xlane vm5;
	v16, _, _ =	vpop (xrf0)  }
0x9f: {  	v11 =	vadd.s32 v14, v11;
	v17 =	vld [tilespmem:s12+$0x0];
	vm3 =	vmor vm3, vm6;
	v16 =	vadd.s32 v14, v16;
	v14, _, _ =	vpop (xrf0)  }
0xa0: {  	v9 =	vadd.s32 v9, v13;
	v7 =	vsel vm3, $0x0, v7;
	vm3 =	vlt.s32 v4, v5;
	v13, _, _ =	vpop (xrf0)  }
0xa1: {  	vm6 =	vmor vm7, vm8;
	vm7 =	vle.s32 v16, v1;
	[tilespmem:s10+$0x20] =	vst v7;
	v7 =	vadd.s32 v11, v13  }
0xa2: {  	v10 =	vadd.s32 v10, v14;
	vm7 =	vmand vm9, vm7;
	[tilespmem:s10+$0x10] =	vst v12;
	vm8 =	vle.s32 v7, v1  }
0xa3: {  	v6 =	vsel vm6, $0x0, v6;
	vm6 =	vmor vm10, vm7;
	v12 =	vld [tilespmem:s12+$0x10];
	vm5 =	vmand vm5, vm8  }
0xa4: {  	vm7 =	vle.s32 v9, v1;
	v8 =	vsel vm6, $0x0, v8;
	v7 =	vld [tilespmem:s12+$0x20];
	[tilespmem:s10+$0x40] =	vst v6;
	vm4 =	vmor vm4, vm5  }
0xa5: {  	vm2 =	vmand vm2, vm7;
	vm5 =	vle.s32 v10, v1;
	v6 =	vld [tilespmem:s12+$0x40];
	[tilespmem:s10+$0x60] =	vst v8;
	v2 =	vsel vm4, $0x0, v2  }
0xa6: {  	vm10 =	veq.s32 v17, v5;
	vm0 =	vmor vm0, vm2;
	vm1 =	vmand vm1, vm5;
	[tilespmem:s10+$0x70] =	vst v2  }
0xa7: {  	v10 =	vadd.s32 v11, v15;
	v3 =	vsel vm0, $0x0, v3;
	vm0 =	vmor vm3, vm1  }
0xa8: {  	vm11 =	vlt.s32 v17, v5;
	v4 =	vsel vm0, $0x0, v4;
	v2 =	vld [tilespmem:s12+$0x70];
	[tilespmem:s10+$0x30] =	vst v3  }
0xa9: {  	v8 =	vmpcnt.ones.xlane vm10;
	vm3 =	vlt.s32 v7, v5;
	vm6 =	veq.s32 v7, v5;
	v3 =	vld [tilespmem:s12+$0x30];
	[tilespmem:s10+$0x50] =	vst v4;
	s10 =	smov.u32 s12  }
0xaa: {  	v9 =	vsel vm10, $0x1, v0;
	vm12 =	veq.s32 v12, v5;
	v11 =	vmpcnt.ones.xlane vm6;
	v4 =	vld [tilespmem:s10+$0x50]  }
0xab: {  	v13 =	vadd.s32 v10, v8;
	v14 =	vmpcnt.ones.xlane vm12;
	vm8 =	veq.s32 v6, v5;
	(xrf0) =	vadd.scan.msk.s32 $0xffff, v9  }
0xac: {  	v15 =	vsel vm6, $0x1, v0;
	vm7 =	vlt.s32 v6, v5;
	v9 =	vsel vm12, $0x1, v0;
	v8 =	vld [tilespmem:s10+$0x60]  }
0xad: {  	v14 =	vadd.s32 v13, v14;
	v16 =	vsel vm8, $0x1, v0;
	v18 =	vmpcnt.ones.xlane vm8;
	(xrf0) =	vadd.scan.msk.s32 $0xffff, v9  }
0xae: {  	vm13 =	vlt.s32 v12, v5;
	vm5 =	veq.s32 v2, v5;
	vm0 =	vlt.s32 v3, v5;
	(xrf0) =	vadd.scan.msk.s32 $0xffff, v16  }
0xaf: {  	vm4 =	vlt.s32 v2, v5;
	vm2 =	veq.s32 v3, v5;
	v16 =	vsel vm5, $0x1, v0  }
0xb0: {  	v9 =	vadd.s32 v14, v11;
	v11 =	vsel vm2, $0x1, v0;
	vm1 =	veq.s32 v4, v5;
	(xrf0) =	vadd.scan.msk.s32 $0xffff, v15  }
0xb1: {  	v15 =	vmpcnt.ones.xlane vm2;
	v19 =	vsel vm1, $0x1, v0;
	vm9 =	veq.s32 v8, v5;
	v20, _, _ =	vpop (xrf0)  }
0xb2: {  	v22 =	vadd.s32 v10, v20;
	v20 =	vmpcnt.ones.xlane vm1;
	v21 =	vsel vm9, $0x1, v0;
	(xrf0) =	vadd.scan.msk.s32 $0xffff, v11  }
0xb3: {  	v15 =	vadd.s32 v9, v15;
	v11 =	vmpcnt.ones.xlane vm9;
	vm14 =	vle.s32 v22, v1;
	v10, _, _ =	vpop (xrf0);
	(xrf0) =	vadd.scan.msk.s32 $0xffff, v21  }
.Ltmp4:
0xb4: {  	vm14 =	vmand vm10, vm14;
	v10 =	vadd.s32 v13, v10;
	vm10 =	vlt.s32 v8, v5;
	v13, _, _ =	vpop (xrf0);
	(xrf0) =	vadd.scan.msk.s32 $0xffff, v19;
	(pc) =	sbr.rel @p0 .LBB2_9-.Ltmp4, $4  }
0xb5: {  	vm11 =	vmor vm11, vm14;
	vm14 =	vle.s32 v10, v1;
	v10 =	vadd.s32 v15, v18;
	(xrf0) =	vadd.scan.msk.s32 $0xffff, v16  }
0xb6: {  	v16 =	vsel vm11, $0x0, v17;
	vm11 =	vmand vm12, vm14;
	v17 =	vadd.s32 v15, v13;
	v15, _, _ =	vpop (xrf0)  }
0xb7: {  	[tilespmem:s10+$0x0] =	vst v16;
	vm12 =	vmor vm13, vm11;
	v14 =	vadd.s32 v14, v15;
	vm11 =	vle.s32 v17, v1  }
0xb8: {  	v12 =	vsel vm12, $0x0, v12;
	vm12 =	vle.s32 v14, v1;
	v14 =	vadd.s32 v10, v20;
	v13, _, _ =	vpop (xrf0)  }
0xb9: {  	vm6 =	vmand vm6, vm12  }
0xba: {  	v15, _, _ =	vpop (xrf0);
	vm8 =	vmand vm8, vm11;
	v11 =	vadd.s32 v14, v11;
	v9 =	vadd.s32 v9, v13  }
0xbb: {  	vm3 =	vmor vm3, vm6;
	v15 =	vadd.s32 v14, v15;
	v60, _, _ =	vpop (xrf0);
	vm13 =	vmor vm7, vm8  }
0xbc: {  	v7 =	vsel vm3, $0x0, v7;
	vm3 =	vlt.s32 v4, v5;
	v61, _, _ =	vpop (xrf0);
	vm14 =	vle.s32 v15, v1  }
0xbd: {  	v10 =	vadd.s32 v10, v60;
	v62 =	vsel vm13, $0x0, v6;
	v5 =	vadd.s32 v11, v61  }
0xbe: {  	[tilespmem:s10+$0x10] =	vst v12;
	vm13 =	vle.s32 v9, v1;
	vm7 =	vmand vm9, vm14;
	vm15 =	vle.s32 v5, v1  }
0xbf: {  	[tilespmem:s10+$0x20] =	vst v7;
	vm2 =	vmand vm2, vm13;
	vm12 =	vmor vm10, vm7;
	vm5 =	vmand vm5, vm15  }
0xc0: {  	[tilespmem:s10+$0x40] =	vst v62;
	vm14 =	vle.s32 v10, v1;
	v63 =	vsel vm12, $0x0, v8;
	vm4 =	vmor vm4, vm5  }
0xc1: {  	vm0 =	vmor vm0, vm2;
	vm1 =	vmand vm1, vm14;
	[tilespmem:s10+$0x60] =	vst v63;
	v1 =	vsel vm4, $0x0, v2  }
0xc2: {  	s9 =	sadd.s32 $0x1, s9;
	vm15 =	vmor vm3, vm1;
	[tilespmem:s10+$0x70] =	vst v1;
	v1 =	vsel vm0, $0x0, v3  }
0xc3: {  	p0 =	sne.s32 s9, s5;
	[tilespmem:s10+$0x30] =	vst v1;
	v1 =	vsel vm15, $0x0, v4  }
.Ltmp5:
0xc4: {  	[tilespmem:s10+$0x50] =	vst v1;
	(pc) =	sbr.rel @p0 .LBB2_1-.Ltmp5, $4  }
0xc5: {  	[hbm4b:s4+s6] =	stream.strided.scatter [tilespmem:s2], [sflag:$0x1], $0x2B00, s7, s6, $0x38;
	[tilespmem:$0x2B00] =	vst v63  }
0xc6: {  	_ =	swait.ge [sflag:s8], $0x2B00  }
0xc7: {  	[sflag:s8] =	ssyncset.done $0x0  }
0xc8: {  	[sflag:s8] =	ssyncadd.s32 $0xFFFFD500  }
0xc9: {  	_ =	sfence.sel $0x180000  }
0xca: {  	[bflag:$0x0] =	sbarrier.arrive $0xFFFF  }
0xcb: {  	p0 =	sne.s32 s0, $0x0;
	_ =	strace $0x90000047  }
0xcc: {  	s0 =	sadd.s32 @!p0 $0x100000, s1;
	[bflag:$0x2] =	sbarrier.arrive $0xFFFF  }
0xcd: {  	[sflag:s0] =	ssyncadd.tile.s32 @!p0 $0x1;
	_ =	shalt  }
.Lfunc_end2:
_tile_overlayer_lowered:
.L_overlay_start_2:
0xce: {  	(tag) =	ssettag $0x2  }
0xcf: {  	s0 =	rddreg [dreg:$0x0];
	s2 =	stileid.u32  }
0xd0: {  	s1 =	rddreg [dreg:$0x1];
	p0 =	sne.s32 s2, $0x0  }
0xd1: {  	s3 =	rddreg [dreg:$0x2];
	[bflag:$0x3] =	sbarrier.arrive $0xFFFF;
	s2 =	simm.s32 @!p0 $0x1C01  }
0xd2: {  	[timem:s3], [sflag:s2] =	dma.local @!p0 [hbm:s0], s1  }
0xd3: {  	s0 =	simm.s32 @!p0 $0x1  }
0xd4: {  	_ =	swait.ge @!p0 [sflag:s0], s1  }
0xd5: {  	s1 =	ssub.s32 @!p0 $0x0, s1;
	[sflag:s0] =	ssyncset.done @!p0 $0x0  }
0xd6: {  	[sflag:s0] =	ssyncadd.s32 @!p0 s1  }
0xd7: {  	[bflag:$0x3] =	sbarrier.arrive $0xFFFF  }
0xd8: {  	_ =	shalt  }

</sc_bundles>
